<compile_context>
chip_gen: v7x
topology: tpu7x:2x2x1
jax: 0.10.2.dev20260603
libtpu: 0.0.44.dev20260713+nightly
codegen_flags: <defaults>
</compile_context>

<pallas_src>
import functools

import jax
import jax.numpy as jnp
from jax import lax
from jax.experimental import pallas as pl
from jax.experimental.pallas import tpu as pltpu
from jax.experimental.pallas import tpu_sc as plsc

N = 10000
E = 160000
D = 256
HALF = 128

E_PAD = 163840
IDX_ROWS = E_PAD // 128
ROWS_PER_TILE = IDX_ROWS // 16
OUTER = 10
INNER = ROWS_PER_TILE // OUTER
NODES_PER_TILE = 632
N_AGG = 16 * NODES_PER_TILE

_mesh = plsc.VectorSubcoreMesh(core_axis_name="c", subcore_axis_name="s",
                               num_cores=2, num_subcores=16)


NBUF = 2
SEGROWS = 40
SEGS = ROWS_PER_TILE // SEGROWS
GROUPS = SEGROWS // NBUF


@functools.partial(
    pl.kernel,
    out_type=jax.ShapeDtypeStruct((2, N_AGG, HALF), jnp.float32),
    mesh=_mesh,
    scratch_types=[
        pltpu.VMEM((SEGROWS, 1, 128), jnp.int32),
        pltpu.VMEM((SEGROWS, 1, 128), jnp.int32),
        pltpu.VMEM((NBUF, 128, HALF), jnp.float32),
        pltpu.VMEM_SHARED((N_AGG, HALF), jnp.float32),
        pltpu.SemaphoreType.DMA((NBUF,)),
        pltpu.SemaphoreType.DMA((NBUF,)),
    ],
)
def _sc_aggregate(x0_hbm, x1_hbm, src_hbm, dst_hbm, zrows_hbm, out_hbm,
                  sbuf, dbuf, rows, aggr, gsem, ssem):
    c = lax.axis_index("c")
    s = lax.axis_index("s")
    row0 = s * ROWS_PER_TILE

    def start_gather(j, b):
        sidx = sbuf.at[j, 0]

        @pl.when(c == 0)
        def _():
            pltpu.async_copy(x0_hbm.at[sidx], rows.at[b], gsem.at[b])

        @pl.when(c == 1)
        def _():
            pltpu.async_copy(x1_hbm.at[sidx], rows.at[b], gsem.at[b])

    pltpu.sync_copy(zrows_hbm, aggr.at[pl.ds(s * NODES_PER_TILE,
                                             NODES_PER_TILE)])
    plsc.subcore_barrier()

    def segment(seg, carry):
        segbase = row0 + seg * SEGROWS
        pltpu.sync_copy(src_hbm.at[pl.ds(segbase, SEGROWS)], sbuf)
        pltpu.sync_copy(dst_hbm.at[pl.ds(segbase, SEGROWS)], dbuf)
        for b in range(NBUF):
            start_gather(b, b)

        def group(g, carry2):
            jbase = g * NBUF
            for b in range(NBUF):
                j = jbase + b
                pltpu.make_async_copy(x0_hbm.at[sbuf.at[j, 0]], rows.at[b],
                                      gsem.at[b]).wait()
            for b in range(NBUF):
                j = jbase + b

                @pl.when(j + NBUF < SEGROWS)
                def _():
                    start_gather(j + NBUF, b)

            return carry2

        return lax.fori_loop(0, GROUPS, group, carry)

    lax.fori_loop(0, SEGS, segment, 0)
    plsc.subcore_barrier()

    pltpu.sync_copy(aggr.at[pl.ds(s * NODES_PER_TILE, NODES_PER_TILE)],
                    out_hbm.at[c, pl.ds(s * NODES_PER_TILE, NODES_PER_TILE)])


BLK = 2000


def _mlp_body(x0_ref, x1_ref, a0_ref, a1_ref, w_ref, b_ref, eps_ref,
              o0_ref, o1_ref):
    scale = 1.0 + eps_ref[0, 0]
    h0 = scale * x0_ref[...] + a0_ref[0]
    h1 = scale * x1_ref[...] + a1_ref[0]
    h = jnp.concatenate([h0, h1], axis=1)
    o = jnp.dot(h, w_ref[...], preferred_element_type=jnp.float32)
    o = jnp.maximum(o + b_ref[...], 0.0)
    o0_ref[...] = o[:, :HALF]
    o1_ref[...] = o[:, HALF:]


def _tc_mlp(x0, x1, ag, w, b, eps):
    row_spec = pl.BlockSpec((BLK, HALF), lambda i: (i, 0))
    return pl.pallas_call(
        _mlp_body,
        grid=(N // BLK,),
        in_specs=[
            row_spec,
            row_spec,
            pl.BlockSpec((1, BLK, HALF), lambda i: (0, i, 0)),
            pl.BlockSpec((1, BLK, HALF), lambda i: (1, i, 0)),
            pl.BlockSpec((D, D), lambda i: (0, 0)),
            pl.BlockSpec((1, D), lambda i: (0, 0)),
            pl.BlockSpec((1, 1), lambda i: (0, 0)),
        ],
        out_specs=[
            pl.BlockSpec((BLK, HALF), lambda i: (i, 0)),
            pl.BlockSpec((BLK, HALF), lambda i: (i, 0)),
        ],
        out_shape=[
            jax.ShapeDtypeStruct((N, HALF), jnp.float32),
            jax.ShapeDtypeStruct((N, HALF), jnp.float32),
        ],
    )(x0, x1, ag, ag, w, b, eps)


def _pad_half(xh):
    return jnp.concatenate([xh, jnp.zeros((8, HALF), jnp.float32)], axis=0)


def kernel(in_feat, edge_list, W1, b1, eps1, W2, b2, eps2):
    src = edge_list[0]
    dst = edge_list[1]
    src_p = jnp.concatenate(
        [src, jnp.full((E_PAD - E,), N, jnp.int32)]).reshape(IDX_ROWS, 1, 128)
    dst_p = jnp.concatenate(
        [dst, jnp.zeros((E_PAD - E,), jnp.int32)]).reshape(IDX_ROWS, 1, 128)
    zrows = jnp.zeros((NODES_PER_TILE, HALF), jnp.float32)

    x0 = _pad_half(in_feat[:, :HALF])
    x1 = _pad_half(in_feat[:, HALF:])
    b1r = b1.reshape(1, D)
    b2r = b2.reshape(1, D)
    e1 = eps1.reshape(1, 1)
    e2 = eps2.reshape(1, 1)

    ag1 = _sc_aggregate(x0, x1, src_p, dst_p, zrows)
    y0, y1 = _tc_mlp(x0, x1, ag1, W1, b1r, e1)

    x0_2 = _pad_half(y0)
    x1_2 = _pad_half(y1)
    ag2 = _sc_aggregate(x0_2, x1_2, src_p, dst_p, zrows)
    z0, z1 = _tc_mlp(x0_2, x1_2, ag2, W2, b2r, e2)

    return jnp.concatenate([z0, z1], axis=1)

# --- scband reference (transcript-rebuilt; emitter-appended) ---
"""Pipeline reference for scband-gin-6871947674191 (READ-ONLY COPY).

The authoritative reference and input builder live on the scoring server;
editing this copy changes nothing except your own understanding.
"""

import jax, jax.numpy as jnp
import numpy as np

N = 10000
E = 160000
D_IN = 256
D_HID = 256
D_OUT = 256


def setup_inputs(seed: int = 0) -> dict:
    key = jax.random.key(seed)
    ks = jax.random.split(key, 8)
    in_feat = jax.random.normal(ks[0], (N, D_IN), dtype=jnp.float32)
    edge_list = jax.random.randint(ks[1], (2, E), 0, N, dtype=jnp.int32)
    # GINConv layer 1 MLP: Linear(D_IN, D_HID) + ReLU
    W1 = jax.random.normal(ks[2], (D_IN, D_HID), dtype=jnp.float32) * (1.0 / np.sqrt(D_IN))
    b1 = jnp.zeros((D_HID,), dtype=jnp.float32)
    eps1 = jnp.zeros((), dtype=jnp.float32)  # train_eps=True, init 0
    # GINConv layer 2 MLP: Linear(D_HID, D_OUT) + ReLU
    W2 = jax.random.normal(ks[3], (D_HID, D_OUT), dtype=jnp.float32) * (1.0 / np.sqrt(D_HID))
    b2 = jnp.zeros((D_OUT,), dtype=jnp.float32)
    eps2 = jnp.zeros((), dtype=jnp.float32)
    return {"in_feat": in_feat, "edge_list": edge_list,
            "W1": W1, "b1": b1, "eps1": eps1,
            "W2": W2, "b2": b2, "eps2": eps2}


def _gin_conv(x, edge_list, eps, W, b):
    # PyG GINConv: out = MLP((1+eps)*x + sum_{j in N(i)} x_j)
    src = edge_list[0]
    dst = edge_list[1]
    msg = jnp.take(x, src, axis=0)                      # gather
    aggr = jnp.zeros_like(x).at[dst].add(msg)           # scatter-add
    h = (1.0 + eps) * x + aggr
    return jax.nn.relu(h @ W + b)


def reference(in_feat, edge_list, W1, b1, eps1, W2, b2, eps2):
    x = _gin_conv(in_feat, edge_list, eps1, W1, b1)
    x = _gin_conv(x, edge_list, eps2, W2, b2)
    return x

if __name__ == "__main__":
    import jax
    _d = setup_inputs()
    print(jax.jit(kernel)(*tuple(_d.values())))

</pallas_src>

<mosaic_0001>
#map = affine_map<(d0, d1) -> (0, 0)>
#map1 = affine_map<(d0, d1) -> (0, 0, 0)>
module attributes {stable_mosaic.version = 14 : i64} {
  func.func @_sc_aggregate(%arg0: i32, %arg1: i32, %arg2: memref<10008x128xf32, #tpu.memory_space<hbm>>, %arg3: memref<10008x128xf32, #tpu.memory_space<hbm>>, %arg4: memref<1280x1x128xi32, #tpu.memory_space<hbm>>, %arg5: memref<1280x1x128xi32, #tpu.memory_space<hbm>>, %arg6: memref<632x128xf32, #tpu.memory_space<hbm>>, %arg7: memref<2x10112x128xf32, #tpu.memory_space<hbm>>, %arg8: memref<40x1x128xi32, #tpu.memory_space<vmem>>, %arg9: memref<40x1x128xi32, #tpu.memory_space<vmem>>, %arg10: memref<2x128x128xf32, #tpu.memory_space<vmem>>, %arg11: memref<10112x128xf32, #tpu.memory_space<vmem_shared>>, %arg12: memref<2x!tpu.dma_semaphore, #tpu.memory_space<semaphore_mem>>, %arg13: memref<2x!tpu.dma_semaphore, #tpu.memory_space<semaphore_mem>>) attributes {dimension_semantics = [#tpu.dimension_semantics<core_parallel>, #tpu.dimension_semantics<subcore_parallel>], iteration_bounds = array<i64: 2, 16>, scalar_prefetch = 0 : i64, scratch_operands = 6 : i64, tpu.core_type = #tpu.core_type<sc_vector_subcore>, window_params = [{transform_indices = #map}, {transform_indices = #map}, {transform_indices = #map1}, {transform_indices = #map1}, {transform_indices = #map}, {transform_indices = #map1}]} {
    %mul3A = arith.constant 80 : i32
    %mul3A_0 = arith.muli %arg1, %mul3A : i32
    %mul3A_1 = arith.constant 632 : i32
    %mul3A_2 = arith.muli %arg1, %mul3A_1 : i32
    "tpu.region"() ({
      %run_scoped3A = tpu.sem_alloc : memref<!tpu.dma_semaphore, #tpu.memory_space<semaphore_mem>>
      %dma_start3A = arith.constant 0 : i32
      %dma_start3A_13 = tpu.memref_slice %arg11[%mul3A_2, %dma_start3A] : memref<10112x128xf32, #tpu.memory_space<vmem_shared>> -> memref<632x128xf32, #tpu.memory_space<vmem_shared>>
      tpu.enqueue_dma source(%arg6 : memref<632x128xf32, #tpu.memory_space<hbm>>) target(%dma_start3A_13 : memref<632x128xf32, #tpu.memory_space<vmem_shared>>) target_semaphore(%run_scoped3A : memref<!tpu.dma_semaphore, #tpu.memory_space<semaphore_mem>>)
      %dma_wait3A = arith.constant 0 : i32
      %dma_wait3A_14 = tpu.memref_slice %arg11[%mul3A_2, %dma_wait3A] : memref<10112x128xf32, #tpu.memory_space<vmem_shared>> -> memref<632x128xf32, #tpu.memory_space<vmem_shared>>
      tpu.wait_dma2 semaphore(%run_scoped3A : memref<!tpu.dma_semaphore, #tpu.memory_space<semaphore_mem>>) src(%arg6 : memref<632x128xf32, #tpu.memory_space<hbm>>) dst(%dma_wait3A_14 : memref<632x128xf32, #tpu.memory_space<vmem_shared>>)
      tpu.yield
    }) : () -> ()
    %barrier3A = arith.constant 0 : index
    tpu.barrier barrier_id(%barrier3A)
    %scan3A = arith.constant 0 : i32
    %scan3A_3 = arith.constant 0 : i32
    %scan3A_4 = arith.constant 2 : i32
    %scan3A_5 = arith.addi %scan3A_3, %scan3A_4 : i32
    %scan3A_6 = arith.constant 1 : i32
    scf.for %scan3A_13 = %scan3A_3 to %scan3A_5 step %scan3A_6  : i32 {
      %mul3A_14 = arith.constant 40 : i32
      %mul3A_15 = arith.muli %scan3A_13, %mul3A_14 : i32
      %add3A = arith.addi %mul3A_0, %mul3A_15 : i32
      "tpu.region"() ({
        %run_scoped3A = tpu.sem_alloc : memref<!tpu.dma_semaphore, #tpu.memory_space<semaphore_mem>>
        %dma_start3A = arith.constant 0 : i32
        %dma_start3A_46 = arith.constant 0 : i32
        %dma_start3A_47 = tpu.memref_slice %arg4[%add3A, %dma_start3A, %dma_start3A_46] : memref<1280x1x128xi32, #tpu.memory_space<hbm>> -> memref<40x1x128xi32, #tpu.memory_space<hbm>>
        %dma_start3A_48 = arith.constant 0 : i32
        %dma_start3A_49 = arith.constant 0 : i32
        %dma_start3A_50 = tpu.memref_slice %arg4[%add3A, %dma_start3A_48, %dma_start3A_49] : memref<1280x1x128xi32, #tpu.memory_space<hbm>> -> memref<40x1x128xi32, #tpu.memory_space<hbm>>
        tpu.enqueue_dma source(%dma_start3A_50 : memref<40x1x128xi32, #tpu.memory_space<hbm>>) target(%arg8 : memref<40x1x128xi32, #tpu.memory_space<vmem>>) target_semaphore(%run_scoped3A : memref<!tpu.dma_semaphore, #tpu.memory_space<semaphore_mem>>)
        %dma_wait3A = arith.constant 0 : i32
        %dma_wait3A_51 = arith.constant 0 : i32
        %dma_wait3A_52 = tpu.memref_slice %arg4[%add3A, %dma_wait3A, %dma_wait3A_51] : memref<1280x1x128xi32, #tpu.memory_space<hbm>> -> memref<40x1x128xi32, #tpu.memory_space<hbm>>
        %dma_wait3A_53 = arith.constant 0 : i32
        %dma_wait3A_54 = arith.constant 0 : i32
        %dma_wait3A_55 = tpu.memref_slice %arg4[%add3A, %dma_wait3A_53, %dma_wait3A_54] : memref<1280x1x128xi32, #tpu.memory_space<hbm>> -> memref<40x1x128xi32, #tpu.memory_space<hbm>>
        tpu.wait_dma2 semaphore(%run_scoped3A : memref<!tpu.dma_semaphore, #tpu.memory_space<semaphore_mem>>) src(%dma_wait3A_55 : memref<40x1x128xi32, #tpu.memory_space<hbm>>) dst(%arg8 : memref<40x1x128xi32, #tpu.memory_space<vmem>>)
        tpu.yield
      }) : () -> ()
      "tpu.region"() ({
        %run_scoped3A = tpu.sem_alloc : memref<!tpu.dma_semaphore, #tpu.memory_space<semaphore_mem>>
        %dma_start3A = arith.constant 0 : i32
        %dma_start3A_46 = arith.constant 0 : i32
        %dma_start3A_47 = tpu.memref_slice %arg5[%add3A, %dma_start3A, %dma_start3A_46] : memref<1280x1x128xi32, #tpu.memory_space<hbm>> -> memref<40x1x128xi32, #tpu.memory_space<hbm>>
        %dma_start3A_48 = arith.constant 0 : i32
        %dma_start3A_49 = arith.constant 0 : i32
        %dma_start3A_50 = tpu.memref_slice %arg5[%add3A, %dma_start3A_48, %dma_start3A_49] : memref<1280x1x128xi32, #tpu.memory_space<hbm>> -> memref<40x1x128xi32, #tpu.memory_space<hbm>>
        tpu.enqueue_dma source(%dma_start3A_50 : memref<40x1x128xi32, #tpu.memory_space<hbm>>) target(%arg9 : memref<40x1x128xi32, #tpu.memory_space<vmem>>) target_semaphore(%run_scoped3A : memref<!tpu.dma_semaphore, #tpu.memory_space<semaphore_mem>>)
        %dma_wait3A = arith.constant 0 : i32
        %dma_wait3A_51 = arith.constant 0 : i32
        %dma_wait3A_52 = tpu.memref_slice %arg5[%add3A, %dma_wait3A, %dma_wait3A_51] : memref<1280x1x128xi32, #tpu.memory_space<hbm>> -> memref<40x1x128xi32, #tpu.memory_space<hbm>>
        %dma_wait3A_53 = arith.constant 0 : i32
        %dma_wait3A_54 = arith.constant 0 : i32
        %dma_wait3A_55 = tpu.memref_slice %arg5[%add3A, %dma_wait3A_53, %dma_wait3A_54] : memref<1280x1x128xi32, #tpu.memory_space<hbm>> -> memref<40x1x128xi32, #tpu.memory_space<hbm>>
        tpu.wait_dma2 semaphore(%run_scoped3A : memref<!tpu.dma_semaphore, #tpu.memory_space<semaphore_mem>>) src(%dma_wait3A_55 : memref<40x1x128xi32, #tpu.memory_space<hbm>>) dst(%arg9 : memref<40x1x128xi32, #tpu.memory_space<vmem>>)
        tpu.yield
      }) : () -> ()
      %eq3A = arith.constant 0 : i32
      %eq3A_16 = arith.cmpi eq, %arg0, %eq3A : i32
      %convert_element_type3A = arith.extui %eq3A_16 : i1 to i32
      %cond3A = arith.constant 0 : i32
      %cond3A_17 = arith.constant 0 : i32
      %cond3A_18 = arith.constant 0 : i32
      %cond3A_19 = arith.cmpi ne, %convert_element_type3A, %cond3A_18 : i32
      scf.if %cond3A_19 {
        %dma_start3A = arith.constant 0 : i32
        %dma_start3A_46 = arith.constant 0 : i32
        %dma_start3A_47 = arith.constant 0 : i32
        %dma_start3A_48 = arith.constant 0 : i32
        %dma_start3A_49 = tpu.memref_slice %arg10[%dma_start3A, %dma_start3A_47, %dma_start3A_48] : memref<2x128x128xf32, #tpu.memory_space<vmem>> -> memref<1x128x128xf32, #tpu.memory_space<vmem>>
        %dma_start3A_50 = tpu.memref_squeeze %dma_start3A_49 : memref<1x128x128xf32, #tpu.memory_space<vmem>> -> memref<128x128xf32, #tpu.memory_space<vmem>>
        %dma_start3A_51 = arith.constant 0 : i32
        %dma_start3A_52 = tpu.memref_slice %arg8[%cond3A, %cond3A_17, %dma_start3A_51] : memref<40x1x128xi32, #tpu.memory_space<vmem>> -> memref<1x1x128xi32, #tpu.memory_space<vmem>>
        %dma_start3A_53 = tpu.memref_squeeze %dma_start3A_52 : memref<1x1x128xi32, #tpu.memory_space<vmem>> -> memref<128xi32, #tpu.memory_space<vmem>>
        %dma_start3A_54 = arith.constant 0 : i32
        %dma_start3A_55 = arith.constant 0 : i32
        %dma_start3A_56 = tpu.memref_slice %arg2[%dma_start3A_54, %dma_start3A_55] : memref<10008x128xf32, #tpu.memory_space<hbm>> -> memref<10008x128xf32, #tpu.memory_space<hbm>>
        %dma_start3A_57 = tpu.memref_slice %arg12[%dma_start3A_46] : memref<2x!tpu.dma_semaphore, #tpu.memory_space<semaphore_mem>> -> memref<1x!tpu.dma_semaphore, #tpu.memory_space<semaphore_mem>>
        %dma_start3A_58 = tpu.memref_squeeze %dma_start3A_57 : memref<1x!tpu.dma_semaphore, #tpu.memory_space<semaphore_mem>> -> memref<!tpu.dma_semaphore, #tpu.memory_space<semaphore_mem>>
        tpu.enqueue_indirect_dma source(%dma_start3A_56 : memref<10008x128xf32, #tpu.memory_space<hbm>>) target(%dma_start3A_50 : memref<128x128xf32, #tpu.memory_space<vmem>>) offsets(%dma_start3A_53 : memref<128xi32, #tpu.memory_space<vmem>>) semaphore(%dma_start3A_58 : memref<!tpu.dma_semaphore, #tpu.memory_space<semaphore_mem>>)
      } else {
      }
      %eq3A_20 = arith.constant 1 : i32
      %eq3A_21 = arith.cmpi eq, %arg0, %eq3A_20 : i32
      %convert_element_type3A_22 = arith.extui %eq3A_21 : i1 to i32
      %cond3A_23 = arith.constant 0 : i32
      %cond3A_24 = arith.constant 0 : i32
      %cond3A_25 = arith.constant 0 : i32
      %cond3A_26 = arith.cmpi ne, %convert_element_type3A_22, %cond3A_25 : i32
      scf.if %cond3A_26 {
        %dma_start3A = arith.constant 0 : i32
        %dma_start3A_46 = arith.constant 0 : i32
        %dma_start3A_47 = arith.constant 0 : i32
        %dma_start3A_48 = arith.constant 0 : i32
        %dma_start3A_49 = tpu.memref_slice %arg10[%dma_start3A, %dma_start3A_47, %dma_start3A_48] : memref<2x128x128xf32, #tpu.memory_space<vmem>> -> memref<1x128x128xf32, #tpu.memory_space<vmem>>
        %dma_start3A_50 = tpu.memref_squeeze %dma_start3A_49 : memref<1x128x128xf32, #tpu.memory_space<vmem>> -> memref<128x128xf32, #tpu.memory_space<vmem>>
        %dma_start3A_51 = arith.constant 0 : i32
        %dma_start3A_52 = tpu.memref_slice %arg8[%cond3A_23, %cond3A_24, %dma_start3A_51] : memref<40x1x128xi32, #tpu.memory_space<vmem>> -> memref<1x1x128xi32, #tpu.memory_space<vmem>>
        %dma_start3A_53 = tpu.memref_squeeze %dma_start3A_52 : memref<1x1x128xi32, #tpu.memory_space<vmem>> -> memref<128xi32, #tpu.memory_space<vmem>>
        %dma_start3A_54 = arith.constant 0 : i32
        %dma_start3A_55 = arith.constant 0 : i32
        %dma_start3A_56 = tpu.memref_slice %arg3[%dma_start3A_54, %dma_start3A_55] : memref<10008x128xf32, #tpu.memory_space<hbm>> -> memref<10008x128xf32, #tpu.memory_space<hbm>>
        %dma_start3A_57 = tpu.memref_slice %arg12[%dma_start3A_46] : memref<2x!tpu.dma_semaphore, #tpu.memory_space<semaphore_mem>> -> memref<1x!tpu.dma_semaphore, #tpu.memory_space<semaphore_mem>>
        %dma_start3A_58 = tpu.memref_squeeze %dma_start3A_57 : memref<1x!tpu.dma_semaphore, #tpu.memory_space<semaphore_mem>> -> memref<!tpu.dma_semaphore, #tpu.memory_space<semaphore_mem>>
        tpu.enqueue_indirect_dma source(%dma_start3A_56 : memref<10008x128xf32, #tpu.memory_space<hbm>>) target(%dma_start3A_50 : memref<128x128xf32, #tpu.memory_space<vmem>>) offsets(%dma_start3A_53 : memref<128xi32, #tpu.memory_space<vmem>>) semaphore(%dma_start3A_58 : memref<!tpu.dma_semaphore, #tpu.memory_space<semaphore_mem>>)
      } else {
      }
      %eq3A_27 = arith.constant 0 : i32
      %eq3A_28 = arith.cmpi eq, %arg0, %eq3A_27 : i32
      %convert_element_type3A_29 = arith.extui %eq3A_28 : i1 to i32
      %cond3A_30 = arith.constant 1 : i32
      %cond3A_31 = arith.constant 0 : i32
      %cond3A_32 = arith.constant 0 : i32
      %cond3A_33 = arith.cmpi ne, %convert_element_type3A_29, %cond3A_32 : i32
      scf.if %cond3A_33 {
        %dma_start3A = arith.constant 1 : i32
        %dma_start3A_46 = arith.constant 1 : i32
        %dma_start3A_47 = arith.constant 0 : i32
        %dma_start3A_48 = arith.constant 0 : i32
        %dma_start3A_49 = tpu.memref_slice %arg10[%dma_start3A, %dma_start3A_47, %dma_start3A_48] : memref<2x128x128xf32, #tpu.memory_space<vmem>> -> memref<1x128x128xf32, #tpu.memory_space<vmem>>
        %dma_start3A_50 = tpu.memref_squeeze %dma_start3A_49 : memref<1x128x128xf32, #tpu.memory_space<vmem>> -> memref<128x128xf32, #tpu.memory_space<vmem>>
        %dma_start3A_51 = arith.constant 0 : i32
        %dma_start3A_52 = tpu.memref_slice %arg8[%cond3A_30, %cond3A_31, %dma_start3A_51] : memref<40x1x128xi32, #tpu.memory_space<vmem>> -> memref<1x1x128xi32, #tpu.memory_space<vmem>>
        %dma_start3A_53 = tpu.memref_squeeze %dma_start3A_52 : memref<1x1x128xi32, #tpu.memory_space<vmem>> -> memref<128xi32, #tpu.memory_space<vmem>>
        %dma_start3A_54 = arith.constant 0 : i32
        %dma_start3A_55 = arith.constant 0 : i32
        %dma_start3A_56 = tpu.memref_slice %arg2[%dma_start3A_54, %dma_start3A_55] : memref<10008x128xf32, #tpu.memory_space<hbm>> -> memref<10008x128xf32, #tpu.memory_space<hbm>>
        %dma_start3A_57 = tpu.memref_slice %arg12[%dma_start3A_46] : memref<2x!tpu.dma_semaphore, #tpu.memory_space<semaphore_mem>> -> memref<1x!tpu.dma_semaphore, #tpu.memory_space<semaphore_mem>>
        %dma_start3A_58 = tpu.memref_squeeze %dma_start3A_57 : memref<1x!tpu.dma_semaphore, #tpu.memory_space<semaphore_mem>> -> memref<!tpu.dma_semaphore, #tpu.memory_space<semaphore_mem>>
        tpu.enqueue_indirect_dma source(%dma_start3A_56 : memref<10008x128xf32, #tpu.memory_space<hbm>>) target(%dma_start3A_50 : memref<128x128xf32, #tpu.memory_space<vmem>>) offsets(%dma_start3A_53 : memref<128xi32, #tpu.memory_space<vmem>>) semaphore(%dma_start3A_58 : memref<!tpu.dma_semaphore, #tpu.memory_space<semaphore_mem>>)
      } else {
      }
      %eq3A_34 = arith.constant 1 : i32
      %eq3A_35 = arith.cmpi eq, %arg0, %eq3A_34 : i32
      %convert_element_type3A_36 = arith.extui %eq3A_35 : i1 to i32
      %cond3A_37 = arith.constant 1 : i32
      %cond3A_38 = arith.constant 0 : i32
      %cond3A_39 = arith.constant 0 : i32
      %cond3A_40 = arith.cmpi ne, %convert_element_type3A_36, %cond3A_39 : i32
      scf.if %cond3A_40 {
        %dma_start3A = arith.constant 1 : i32
        %dma_start3A_46 = arith.constant 1 : i32
        %dma_start3A_47 = arith.constant 0 : i32
        %dma_start3A_48 = arith.constant 0 : i32
        %dma_start3A_49 = tpu.memref_slice %arg10[%dma_start3A, %dma_start3A_47, %dma_start3A_48] : memref<2x128x128xf32, #tpu.memory_space<vmem>> -> memref<1x128x128xf32, #tpu.memory_space<vmem>>
        %dma_start3A_50 = tpu.memref_squeeze %dma_start3A_49 : memref<1x128x128xf32, #tpu.memory_space<vmem>> -> memref<128x128xf32, #tpu.memory_space<vmem>>
        %dma_start3A_51 = arith.constant 0 : i32
        %dma_start3A_52 = tpu.memref_slice %arg8[%cond3A_37, %cond3A_38, %dma_start3A_51] : memref<40x1x128xi32, #tpu.memory_space<vmem>> -> memref<1x1x128xi32, #tpu.memory_space<vmem>>
        %dma_start3A_53 = tpu.memref_squeeze %dma_start3A_52 : memref<1x1x128xi32, #tpu.memory_space<vmem>> -> memref<128xi32, #tpu.memory_space<vmem>>
        %dma_start3A_54 = arith.constant 0 : i32
        %dma_start3A_55 = arith.constant 0 : i32
        %dma_start3A_56 = tpu.memref_slice %arg3[%dma_start3A_54, %dma_start3A_55] : memref<10008x128xf32, #tpu.memory_space<hbm>> -> memref<10008x128xf32, #tpu.memory_space<hbm>>
        %dma_start3A_57 = tpu.memref_slice %arg12[%dma_start3A_46] : memref<2x!tpu.dma_semaphore, #tpu.memory_space<semaphore_mem>> -> memref<1x!tpu.dma_semaphore, #tpu.memory_space<semaphore_mem>>
        %dma_start3A_58 = tpu.memref_squeeze %dma_start3A_57 : memref<1x!tpu.dma_semaphore, #tpu.memory_space<semaphore_mem>> -> memref<!tpu.dma_semaphore, #tpu.memory_space<semaphore_mem>>
        tpu.enqueue_indirect_dma source(%dma_start3A_56 : memref<10008x128xf32, #tpu.memory_space<hbm>>) target(%dma_start3A_50 : memref<128x128xf32, #tpu.memory_space<vmem>>) offsets(%dma_start3A_53 : memref<128xi32, #tpu.memory_space<vmem>>) semaphore(%dma_start3A_58 : memref<!tpu.dma_semaphore, #tpu.memory_space<semaphore_mem>>)
      } else {
      }
      %scan3A_41 = arith.constant 0 : i32
      %scan3A_42 = arith.constant 20 : i32
      %scan3A_43 = arith.addi %scan3A_41, %scan3A_42 : i32
      %scan3A_44 = arith.constant 1 : i32
      scf.for %scan3A_46 = %scan3A_41 to %scan3A_43 step %scan3A_44  : i32 {
        %mul3A_47 = arith.constant 2 : i32
        %mul3A_48 = arith.muli %scan3A_46, %mul3A_47 : i32
        %add3A_49 = arith.constant 0 : i32
        %add3A_50 = arith.addi %mul3A_48, %add3A_49 : i32
        %dma_wait3A = arith.constant 0 : i32
        %dma_wait3A_51 = arith.constant 0 : i32
        %dma_wait3A_52 = arith.constant 0 : i32
        %dma_wait3A_53 = arith.constant 0 : i32
        %dma_wait3A_54 = arith.constant 0 : i32
        %dma_wait3A_55 = tpu.memref_slice %arg10[%dma_wait3A_51, %dma_wait3A_53, %dma_wait3A_54] : memref<2x128x128xf32, #tpu.memory_space<vmem>> -> memref<1x128x128xf32, #tpu.memory_space<vmem>>
        %dma_wait3A_56 = tpu.memref_squeeze %dma_wait3A_55 : memref<1x128x128xf32, #tpu.memory_space<vmem>> -> memref<128x128xf32, #tpu.memory_space<vmem>>
        %dma_wait3A_57 = arith.constant 0 : i32
        %dma_wait3A_58 = tpu.memref_slice %arg8[%add3A_50, %dma_wait3A, %dma_wait3A_57] : memref<40x1x128xi32, #tpu.memory_space<vmem>> -> memref<1x1x128xi32, #tpu.memory_space<vmem>>
        %dma_wait3A_59 = tpu.memref_squeeze %dma_wait3A_58 : memref<1x1x128xi32, #tpu.memory_space<vmem>> -> memref<128xi32, #tpu.memory_space<vmem>>
        %dma_wait3A_60 = arith.constant 0 : i32
        %dma_wait3A_61 = arith.constant 0 : i32
        %dma_wait3A_62 = tpu.memref_slice %arg2[%dma_wait3A_60, %dma_wait3A_61] : memref<10008x128xf32, #tpu.memory_space<hbm>> -> memref<10008x128xf32, #tpu.memory_space<hbm>>
        %dma_wait3A_63 = tpu.memref_slice %arg12[%dma_wait3A_52] : memref<2x!tpu.dma_semaphore, #tpu.memory_space<semaphore_mem>> -> memref<1x!tpu.dma_semaphore, #tpu.memory_space<semaphore_mem>>
        %dma_wait3A_64 = tpu.memref_squeeze %dma_wait3A_63 : memref<1x!tpu.dma_semaphore, #tpu.memory_space<semaphore_mem>> -> memref<!tpu.dma_semaphore, #tpu.memory_space<semaphore_mem>>
        tpu.wait_indirect_dma semaphore(%dma_wait3A_64 : memref<!tpu.dma_semaphore, #tpu.memory_space<semaphore_mem>>) src(%dma_wait3A_62 : memref<10008x128xf32, #tpu.memory_space<hbm>>) dst(%dma_wait3A_56 : memref<128x128xf32, #tpu.memory_space<vmem>>)
        %add3A_65 = arith.constant 1 : i32
        %add3A_66 = arith.addi %mul3A_48, %add3A_65 : i32
        %dma_wait3A_67 = arith.constant 0 : i32
        %dma_wait3A_68 = arith.constant 1 : i32
        %dma_wait3A_69 = arith.constant 1 : i32
        %dma_wait3A_70 = arith.constant 0 : i32
        %dma_wait3A_71 = arith.constant 0 : i32
        %dma_wait3A_72 = tpu.memref_slice %arg10[%dma_wait3A_68, %dma_wait3A_70, %dma_wait3A_71] : memref<2x128x128xf32, #tpu.memory_space<vmem>> -> memref<1x128x128xf32, #tpu.memory_space<vmem>>
        %dma_wait3A_73 = tpu.memref_squeeze %dma_wait3A_72 : memref<1x128x128xf32, #tpu.memory_space<vmem>> -> memref<128x128xf32, #tpu.memory_space<vmem>>
        %dma_wait3A_74 = arith.constant 0 : i32
        %dma_wait3A_75 = tpu.memref_slice %arg8[%add3A_66, %dma_wait3A_67, %dma_wait3A_74] : memref<40x1x128xi32, #tpu.memory_space<vmem>> -> memref<1x1x128xi32, #tpu.memory_space<vmem>>
        %dma_wait3A_76 = tpu.memref_squeeze %dma_wait3A_75 : memref<1x1x128xi32, #tpu.memory_space<vmem>> -> memref<128xi32, #tpu.memory_space<vmem>>
        %dma_wait3A_77 = arith.constant 0 : i32
        %dma_wait3A_78 = arith.constant 0 : i32
        %dma_wait3A_79 = tpu.memref_slice %arg2[%dma_wait3A_77, %dma_wait3A_78] : memref<10008x128xf32, #tpu.memory_space<hbm>> -> memref<10008x128xf32, #tpu.memory_space<hbm>>
        %dma_wait3A_80 = tpu.memref_slice %arg12[%dma_wait3A_69] : memref<2x!tpu.dma_semaphore, #tpu.memory_space<semaphore_mem>> -> memref<1x!tpu.dma_semaphore, #tpu.memory_space<semaphore_mem>>
        %dma_wait3A_81 = tpu.memref_squeeze %dma_wait3A_80 : memref<1x!tpu.dma_semaphore, #tpu.memory_space<semaphore_mem>> -> memref<!tpu.dma_semaphore, #tpu.memory_space<semaphore_mem>>
        tpu.wait_indirect_dma semaphore(%dma_wait3A_81 : memref<!tpu.dma_semaphore, #tpu.memory_space<semaphore_mem>>) src(%dma_wait3A_79 : memref<10008x128xf32, #tpu.memory_space<hbm>>) dst(%dma_wait3A_73 : memref<128x128xf32, #tpu.memory_space<vmem>>)
        %add3A_82 = arith.constant 0 : i32
        %add3A_83 = arith.addi %mul3A_48, %add3A_82 : i32
        %add3A_84 = arith.constant 2 : i32
        %add3A_85 = arith.addi %add3A_83, %add3A_84 : i32
        %lt3A = arith.constant 40 : i32
        %lt3A_86 = arith.cmpi slt, %add3A_85, %lt3A : i32
        %convert_element_type3A_87 = arith.extui %lt3A_86 : i1 to i32
        %cond3A_88 = arith.constant 0 : i32
        %cond3A_89 = arith.cmpi ne, %convert_element_type3A_87, %cond3A_88 : i32
        scf.if %cond3A_89 {
          %add3A_99 = arith.constant 2 : i32
          %add3A_100 = arith.addi %add3A_83, %add3A_99 : i32
          %eq3A_101 = arith.constant 0 : i32
          %eq3A_102 = arith.cmpi eq, %arg0, %eq3A_101 : i32
          %convert_element_type3A_103 = arith.extui %eq3A_102 : i1 to i32
          %cond3A_104 = arith.constant 0 : i32
          %cond3A_105 = arith.constant 0 : i32
          %cond3A_106 = arith.cmpi ne, %convert_element_type3A_103, %cond3A_105 : i32
          scf.if %cond3A_106 {
            %dma_start3A = arith.constant 0 : i32
            %dma_start3A_113 = arith.constant 0 : i32
            %dma_start3A_114 = arith.constant 0 : i32
            %dma_start3A_115 = arith.constant 0 : i32
            %dma_start3A_116 = tpu.memref_slice %arg10[%dma_start3A, %dma_start3A_114, %dma_start3A_115] : memref<2x128x128xf32, #tpu.memory_space<vmem>> -> memref<1x128x128xf32, #tpu.memory_space<vmem>>
            %dma_start3A_117 = tpu.memref_squeeze %dma_start3A_116 : memref<1x128x128xf32, #tpu.memory_space<vmem>> -> memref<128x128xf32, #tpu.memory_space<vmem>>
            %dma_start3A_118 = arith.constant 0 : i32
            %dma_start3A_119 = tpu.memref_slice %arg8[%add3A_100, %cond3A_104, %dma_start3A_118] : memref<40x1x128xi32, #tpu.memory_space<vmem>> -> memref<1x1x128xi32, #tpu.memory_space<vmem>>
            %dma_start3A_120 = tpu.memref_squeeze %dma_start3A_119 : memref<1x1x128xi32, #tpu.memory_space<vmem>> -> memref<128xi32, #tpu.memory_space<vmem>>
            %dma_start3A_121 = arith.constant 0 : i32
            %dma_start3A_122 = arith.constant 0 : i32
            %dma_start3A_123 = tpu.memref_slice %arg2[%dma_start3A_121, %dma_start3A_122] : memref<10008x128xf32, #tpu.memory_space<hbm>> -> memref<10008x128xf32, #tpu.memory_space<hbm>>
            %dma_start3A_124 = tpu.memref_slice %arg12[%dma_start3A_113] : memref<2x!tpu.dma_semaphore, #tpu.memory_space<semaphore_mem>> -> memref<1x!tpu.dma_semaphore, #tpu.memory_space<semaphore_mem>>
            %dma_start3A_125 = tpu.memref_squeeze %dma_start3A_124 : memref<1x!tpu.dma_semaphore, #tpu.memory_space<semaphore_mem>> -> memref<!tpu.dma_semaphore, #tpu.memory_space<semaphore_mem>>
            tpu.enqueue_indirect_dma source(%dma_start3A_123 : memref<10008x128xf32, #tpu.memory_space<hbm>>) target(%dma_start3A_117 : memref<128x128xf32, #tpu.memory_space<vmem>>) offsets(%dma_start3A_120 : memref<128xi32, #tpu.memory_space<vmem>>) semaphore(%dma_start3A_125 : memref<!tpu.dma_semaphore, #tpu.memory_space<semaphore_mem>>)
          } else {
          }
          %eq3A_107 = arith.constant 1 : i32
          %eq3A_108 = arith.cmpi eq, %arg0, %eq3A_107 : i32
          %convert_element_type3A_109 = arith.extui %eq3A_108 : i1 to i32
          %cond3A_110 = arith.constant 0 : i32
          %cond3A_111 = arith.constant 0 : i32
          %cond3A_112 = arith.cmpi ne, %convert_element_type3A_109, %cond3A_111 : i32
          scf.if %cond3A_112 {
            %dma_start3A = arith.constant 0 : i32
            %dma_start3A_113 = arith.constant 0 : i32
            %dma_start3A_114 = arith.constant 0 : i32
            %dma_start3A_115 = arith.constant 0 : i32
            %dma_start3A_116 = tpu.memref_slice %arg10[%dma_start3A, %dma_start3A_114, %dma_start3A_115] : memref<2x128x128xf32, #tpu.memory_space<vmem>> -> memref<1x128x128xf32, #tpu.memory_space<vmem>>
            %dma_start3A_117 = tpu.memref_squeeze %dma_start3A_116 : memref<1x128x128xf32, #tpu.memory_space<vmem>> -> memref<128x128xf32, #tpu.memory_space<vmem>>
            %dma_start3A_118 = arith.constant 0 : i32
            %dma_start3A_119 = tpu.memref_slice %arg8[%add3A_100, %cond3A_110, %dma_start3A_118] : memref<40x1x128xi32, #tpu.memory_space<vmem>> -> memref<1x1x128xi32, #tpu.memory_space<vmem>>
            %dma_start3A_120 = tpu.memref_squeeze %dma_start3A_119 : memref<1x1x128xi32, #tpu.memory_space<vmem>> -> memref<128xi32, #tpu.memory_space<vmem>>
            %dma_start3A_121 = arith.constant 0 : i32
            %dma_start3A_122 = arith.constant 0 : i32
            %dma_start3A_123 = tpu.memref_slice %arg3[%dma_start3A_121, %dma_start3A_122] : memref<10008x128xf32, #tpu.memory_space<hbm>> -> memref<10008x128xf32, #tpu.memory_space<hbm>>
            %dma_start3A_124 = tpu.memref_slice %arg12[%dma_start3A_113] : memref<2x!tpu.dma_semaphore, #tpu.memory_space<semaphore_mem>> -> memref<1x!tpu.dma_semaphore, #tpu.memory_space<semaphore_mem>>
            %dma_start3A_125 = tpu.memref_squeeze %dma_start3A_124 : memref<1x!tpu.dma_semaphore, #tpu.memory_space<semaphore_mem>> -> memref<!tpu.dma_semaphore, #tpu.memory_space<semaphore_mem>>
            tpu.enqueue_indirect_dma source(%dma_start3A_123 : memref<10008x128xf32, #tpu.memory_space<hbm>>) target(%dma_start3A_117 : memref<128x128xf32, #tpu.memory_space<vmem>>) offsets(%dma_start3A_120 : memref<128xi32, #tpu.memory_space<vmem>>) semaphore(%dma_start3A_125 : memref<!tpu.dma_semaphore, #tpu.memory_space<semaphore_mem>>)
          } else {
          }
        } else {
        }
        %add3A_90 = arith.constant 1 : i32
        %add3A_91 = arith.addi %mul3A_48, %add3A_90 : i32
        %add3A_92 = arith.constant 2 : i32
        %add3A_93 = arith.addi %add3A_91, %add3A_92 : i32
        %lt3A_94 = arith.constant 40 : i32
        %lt3A_95 = arith.cmpi slt, %add3A_93, %lt3A_94 : i32
        %convert_element_type3A_96 = arith.extui %lt3A_95 : i1 to i32
        %cond3A_97 = arith.constant 0 : i32
        %cond3A_98 = arith.cmpi ne, %convert_element_type3A_96, %cond3A_97 : i32
        scf.if %cond3A_98 {
          %add3A_99 = arith.constant 2 : i32
          %add3A_100 = arith.addi %add3A_91, %add3A_99 : i32
          %eq3A_101 = arith.constant 0 : i32
          %eq3A_102 = arith.cmpi eq, %arg0, %eq3A_101 : i32
          %convert_element_type3A_103 = arith.extui %eq3A_102 : i1 to i32
          %cond3A_104 = arith.constant 0 : i32
          %cond3A_105 = arith.constant 0 : i32
          %cond3A_106 = arith.cmpi ne, %convert_element_type3A_103, %cond3A_105 : i32
          scf.if %cond3A_106 {
            %dma_start3A = arith.constant 1 : i32
            %dma_start3A_113 = arith.constant 1 : i32
            %dma_start3A_114 = arith.constant 0 : i32
            %dma_start3A_115 = arith.constant 0 : i32
            %dma_start3A_116 = tpu.memref_slice %arg10[%dma_start3A, %dma_start3A_114, %dma_start3A_115] : memref<2x128x128xf32, #tpu.memory_space<vmem>> -> memref<1x128x128xf32, #tpu.memory_space<vmem>>
            %dma_start3A_117 = tpu.memref_squeeze %dma_start3A_116 : memref<1x128x128xf32, #tpu.memory_space<vmem>> -> memref<128x128xf32, #tpu.memory_space<vmem>>
            %dma_start3A_118 = arith.constant 0 : i32
            %dma_start3A_119 = tpu.memref_slice %arg8[%add3A_100, %cond3A_104, %dma_start3A_118] : memref<40x1x128xi32, #tpu.memory_space<vmem>> -> memref<1x1x128xi32, #tpu.memory_space<vmem>>
            %dma_start3A_120 = tpu.memref_squeeze %dma_start3A_119 : memref<1x1x128xi32, #tpu.memory_space<vmem>> -> memref<128xi32, #tpu.memory_space<vmem>>
            %dma_start3A_121 = arith.constant 0 : i32
            %dma_start3A_122 = arith.constant 0 : i32
            %dma_start3A_123 = tpu.memref_slice %arg2[%dma_start3A_121, %dma_start3A_122] : memref<10008x128xf32, #tpu.memory_space<hbm>> -> memref<10008x128xf32, #tpu.memory_space<hbm>>
            %dma_start3A_124 = tpu.memref_slice %arg12[%dma_start3A_113] : memref<2x!tpu.dma_semaphore, #tpu.memory_space<semaphore_mem>> -> memref<1x!tpu.dma_semaphore, #tpu.memory_space<semaphore_mem>>
            %dma_start3A_125 = tpu.memref_squeeze %dma_start3A_124 : memref<1x!tpu.dma_semaphore, #tpu.memory_space<semaphore_mem>> -> memref<!tpu.dma_semaphore, #tpu.memory_space<semaphore_mem>>
            tpu.enqueue_indirect_dma source(%dma_start3A_123 : memref<10008x128xf32, #tpu.memory_space<hbm>>) target(%dma_start3A_117 : memref<128x128xf32, #tpu.memory_space<vmem>>) offsets(%dma_start3A_120 : memref<128xi32, #tpu.memory_space<vmem>>) semaphore(%dma_start3A_125 : memref<!tpu.dma_semaphore, #tpu.memory_space<semaphore_mem>>)
          } else {
          }
          %eq3A_107 = arith.constant 1 : i32
          %eq3A_108 = arith.cmpi eq, %arg0, %eq3A_107 : i32
          %convert_element_type3A_109 = arith.extui %eq3A_108 : i1 to i32
          %cond3A_110 = arith.constant 0 : i32
          %cond3A_111 = arith.constant 0 : i32
          %cond3A_112 = arith.cmpi ne, %convert_element_type3A_109, %cond3A_111 : i32
          scf.if %cond3A_112 {
            %dma_start3A = arith.constant 1 : i32
            %dma_start3A_113 = arith.constant 1 : i32
            %dma_start3A_114 = arith.constant 0 : i32
            %dma_start3A_115 = arith.constant 0 : i32
            %dma_start3A_116 = tpu.memref_slice %arg10[%dma_start3A, %dma_start3A_114, %dma_start3A_115] : memref<2x128x128xf32, #tpu.memory_space<vmem>> -> memref<1x128x128xf32, #tpu.memory_space<vmem>>
            %dma_start3A_117 = tpu.memref_squeeze %dma_start3A_116 : memref<1x128x128xf32, #tpu.memory_space<vmem>> -> memref<128x128xf32, #tpu.memory_space<vmem>>
            %dma_start3A_118 = arith.constant 0 : i32
            %dma_start3A_119 = tpu.memref_slice %arg8[%add3A_100, %cond3A_110, %dma_start3A_118] : memref<40x1x128xi32, #tpu.memory_space<vmem>> -> memref<1x1x128xi32, #tpu.memory_space<vmem>>
            %dma_start3A_120 = tpu.memref_squeeze %dma_start3A_119 : memref<1x1x128xi32, #tpu.memory_space<vmem>> -> memref<128xi32, #tpu.memory_space<vmem>>
            %dma_start3A_121 = arith.constant 0 : i32
            %dma_start3A_122 = arith.constant 0 : i32
            %dma_start3A_123 = tpu.memref_slice %arg3[%dma_start3A_121, %dma_start3A_122] : memref<10008x128xf32, #tpu.memory_space<hbm>> -> memref<10008x128xf32, #tpu.memory_space<hbm>>
            %dma_start3A_124 = tpu.memref_slice %arg12[%dma_start3A_113] : memref<2x!tpu.dma_semaphore, #tpu.memory_space<semaphore_mem>> -> memref<1x!tpu.dma_semaphore, #tpu.memory_space<semaphore_mem>>
            %dma_start3A_125 = tpu.memref_squeeze %dma_start3A_124 : memref<1x!tpu.dma_semaphore, #tpu.memory_space<semaphore_mem>> -> memref<!tpu.dma_semaphore, #tpu.memory_space<semaphore_mem>>
            tpu.enqueue_indirect_dma source(%dma_start3A_123 : memref<10008x128xf32, #tpu.memory_space<hbm>>) target(%dma_start3A_117 : memref<128x128xf32, #tpu.memory_space<vmem>>) offsets(%dma_start3A_120 : memref<128xi32, #tpu.memory_space<vmem>>) semaphore(%dma_start3A_125 : memref<!tpu.dma_semaphore, #tpu.memory_space<semaphore_mem>>)
          } else {
          }
        } else {
        }
      }
      %scan3A_45 = arith.constant 20 : i32
    }
    %scan3A_7 = arith.constant 2 : i32
    %barrier3A_8 = arith.constant 0 : index
    tpu.barrier barrier_id(%barrier3A_8)
    %mul3A_9 = arith.constant 632 : i32
    %mul3A_10 = arith.muli %arg1, %mul3A_9 : i32
    %mul3A_11 = arith.constant 632 : i32
    %mul3A_12 = arith.muli %arg1, %mul3A_11 : i32
    "tpu.region"() ({
      %run_scoped3A = tpu.sem_alloc : memref<!tpu.dma_semaphore, #tpu.memory_space<semaphore_mem>>
      %dma_start3A = arith.constant 0 : i32
      %dma_start3A_13 = tpu.memref_slice %arg7[%arg0, %mul3A_12, %dma_start3A] : memref<2x10112x128xf32, #tpu.memory_space<hbm>> -> memref<1x632x128xf32, #tpu.memory_space<hbm>>
      %dma_start3A_14 = tpu.memref_squeeze %dma_start3A_13 : memref<1x632x128xf32, #tpu.memory_space<hbm>> -> memref<632x128xf32, #tpu.memory_space<hbm>>
      %dma_start3A_15 = arith.constant 0 : i32
      %dma_start3A_16 = tpu.memref_slice %arg11[%mul3A_10, %dma_start3A_15] : memref<10112x128xf32, #tpu.memory_space<vmem_shared>> -> memref<632x128xf32, #tpu.memory_space<vmem_shared>>
      tpu.enqueue_dma source(%dma_start3A_16 : memref<632x128xf32, #tpu.memory_space<vmem_shared>>) target(%dma_start3A_14 : memref<632x128xf32, #tpu.memory_space<hbm>>) target_semaphore(%run_scoped3A : memref<!tpu.dma_semaphore, #tpu.memory_space<semaphore_mem>>)
      %dma_wait3A = arith.constant 0 : i32
      %dma_wait3A_17 = tpu.memref_slice %arg7[%arg0, %mul3A_12, %dma_wait3A] : memref<2x10112x128xf32, #tpu.memory_space<hbm>> -> memref<1x632x128xf32, #tpu.memory_space<hbm>>
      %dma_wait3A_18 = tpu.memref_squeeze %dma_wait3A_17 : memref<1x632x128xf32, #tpu.memory_space<hbm>> -> memref<632x128xf32, #tpu.memory_space<hbm>>
      %dma_wait3A_19 = arith.constant 0 : i32
      %dma_wait3A_20 = tpu.memref_slice %arg11[%mul3A_10, %dma_wait3A_19] : memref<10112x128xf32, #tpu.memory_space<vmem_shared>> -> memref<632x128xf32, #tpu.memory_space<vmem_shared>>
      tpu.wait_dma2 semaphore(%run_scoped3A : memref<!tpu.dma_semaphore, #tpu.memory_space<semaphore_mem>>) src(%dma_wait3A_20 : memref<632x128xf32, #tpu.memory_space<vmem_shared>>) dst(%dma_wait3A_18 : memref<632x128xf32, #tpu.memory_space<hbm>>)
      tpu.yield
    }) : () -> ()
    return
  }
}

#map = affine_map<(d0, d1) -> (0, 0)>
#map1 = affine_map<(d0, d1) -> (0, 0, 0)>
module attributes {stable_mosaic.version = 14 : i64} {
  func.func @_sc_aggregate(%arg0: i32, %arg1: i32, %arg2: memref<10008x128xf32, #tpu.memory_space<hbm>>, %arg3: memref<10008x128xf32, #tpu.memory_space<hbm>>, %arg4: memref<1280x1x128xi32, #tpu.memory_space<hbm>>, %arg5: memref<1280x1x128xi32, #tpu.memory_space<hbm>>, %arg6: memref<632x128xf32, #tpu.memory_space<hbm>>, %arg7: memref<2x10112x128xf32, #tpu.memory_space<hbm>>, %arg8: memref<40x1x128xi32, #tpu.memory_space<vmem>>, %arg9: memref<40x1x128xi32, #tpu.memory_space<vmem>>, %arg10: memref<2x128x128xf32, #tpu.memory_space<vmem>>, %arg11: memref<10112x128xf32, #tpu.memory_space<vmem_shared>>, %arg12: memref<2x!tpu.dma_semaphore, #tpu.memory_space<semaphore_mem>>, %arg13: memref<2x!tpu.dma_semaphore, #tpu.memory_space<semaphore_mem>>) attributes {dimension_semantics = [#tpu.dimension_semantics<core_parallel>, #tpu.dimension_semantics<subcore_parallel>], iteration_bounds = array<i64: 2, 16>, scalar_prefetch = 0 : i64, scratch_operands = 6 : i64, tpu.core_type = #tpu.core_type<sc_vector_subcore>, window_params = [{transform_indices = #map}, {transform_indices = #map}, {transform_indices = #map1}, {transform_indices = #map1}, {transform_indices = #map}, {transform_indices = #map1}]} {
    %mul3A = arith.constant 80 : i32
    %mul3A_0 = arith.muli %arg1, %mul3A : i32
    %mul3A_1 = arith.constant 632 : i32
    %mul3A_2 = arith.muli %arg1, %mul3A_1 : i32
    "tpu.region"() ({
      %run_scoped3A = tpu.sem_alloc : memref<!tpu.dma_semaphore, #tpu.memory_space<semaphore_mem>>
      %dma_start3A = arith.constant 0 : i32
      %dma_start3A_13 = tpu.memref_slice %arg11[%mul3A_2, %dma_start3A] : memref<10112x128xf32, #tpu.memory_space<vmem_shared>> -> memref<632x128xf32, #tpu.memory_space<vmem_shared>>
      tpu.enqueue_dma source(%arg6 : memref<632x128xf32, #tpu.memory_space<hbm>>) target(%dma_start3A_13 : memref<632x128xf32, #tpu.memory_space<vmem_shared>>) target_semaphore(%run_scoped3A : memref<!tpu.dma_semaphore, #tpu.memory_space<semaphore_mem>>)
      %dma_wait3A = arith.constant 0 : i32
      %dma_wait3A_14 = tpu.memref_slice %arg11[%mul3A_2, %dma_wait3A] : memref<10112x128xf32, #tpu.memory_space<vmem_shared>> -> memref<632x128xf32, #tpu.memory_space<vmem_shared>>
      tpu.wait_dma2 semaphore(%run_scoped3A : memref<!tpu.dma_semaphore, #tpu.memory_space<semaphore_mem>>) src(%arg6 : memref<632x128xf32, #tpu.memory_space<hbm>>) dst(%dma_wait3A_14 : memref<632x128xf32, #tpu.memory_space<vmem_shared>>)
      tpu.yield
    }) : () -> ()
    %barrier3A = arith.constant 0 : index
    tpu.barrier barrier_id(%barrier3A)
    %scan3A = arith.constant 0 : i32
    %scan3A_3 = arith.constant 0 : i32
    %scan3A_4 = arith.constant 2 : i32
    %scan3A_5 = arith.addi %scan3A_3, %scan3A_4 : i32
    %scan3A_6 = arith.constant 1 : i32
    scf.for %scan3A_13 = %scan3A_3 to %scan3A_5 step %scan3A_6  : i32 {
      %mul3A_14 = arith.constant 40 : i32
      %mul3A_15 = arith.muli %scan3A_13, %mul3A_14 : i32
      %add3A = arith.addi %mul3A_0, %mul3A_15 : i32
      "tpu.region"() ({
        %run_scoped3A = tpu.sem_alloc : memref<!tpu.dma_semaphore, #tpu.memory_space<semaphore_mem>>
        %dma_start3A = arith.constant 0 : i32
        %dma_start3A_46 = arith.constant 0 : i32
        %dma_start3A_47 = tpu.memref_slice %arg4[%add3A, %dma_start3A, %dma_start3A_46] : memref<1280x1x128xi32, #tpu.memory_space<hbm>> -> memref<40x1x128xi32, #tpu.memory_space<hbm>>
        %dma_start3A_48 = arith.constant 0 : i32
        %dma_start3A_49 = arith.constant 0 : i32
        %dma_start3A_50 = tpu.memref_slice %arg4[%add3A, %dma_start3A_48, %dma_start3A_49] : memref<1280x1x128xi32, #tpu.memory_space<hbm>> -> memref<40x1x128xi32, #tpu.memory_space<hbm>>
        tpu.enqueue_dma source(%dma_start3A_50 : memref<40x1x128xi32, #tpu.memory_space<hbm>>) target(%arg8 : memref<40x1x128xi32, #tpu.memory_space<vmem>>) target_semaphore(%run_scoped3A : memref<!tpu.dma_semaphore, #tpu.memory_space<semaphore_mem>>)
        %dma_wait3A = arith.constant 0 : i32
        %dma_wait3A_51 = arith.constant 0 : i32
        %dma_wait3A_52 = tpu.memref_slice %arg4[%add3A, %dma_wait3A, %dma_wait3A_51] : memref<1280x1x128xi32, #tpu.memory_space<hbm>> -> memref<40x1x128xi32, #tpu.memory_space<hbm>>
        %dma_wait3A_53 = arith.constant 0 : i32
        %dma_wait3A_54 = arith.constant 0 : i32
        %dma_wait3A_55 = tpu.memref_slice %arg4[%add3A, %dma_wait3A_53, %dma_wait3A_54] : memref<1280x1x128xi32, #tpu.memory_space<hbm>> -> memref<40x1x128xi32, #tpu.memory_space<hbm>>
        tpu.wait_dma2 semaphore(%run_scoped3A : memref<!tpu.dma_semaphore, #tpu.memory_space<semaphore_mem>>) src(%dma_wait3A_55 : memref<40x1x128xi32, #tpu.memory_space<hbm>>) dst(%arg8 : memref<40x1x128xi32, #tpu.memory_space<vmem>>)
        tpu.yield
      }) : () -> ()
      "tpu.region"() ({
        %run_scoped3A = tpu.sem_alloc : memref<!tpu.dma_semaphore, #tpu.memory_space<semaphore_mem>>
        %dma_start3A = arith.constant 0 : i32
        %dma_start3A_46 = arith.constant 0 : i32
        %dma_start3A_47 = tpu.memref_slice %arg5[%add3A, %dma_start3A, %dma_start3A_46] : memref<1280x1x128xi32, #tpu.memory_space<hbm>> -> memref<40x1x128xi32, #tpu.memory_space<hbm>>
        %dma_start3A_48 = arith.constant 0 : i32
        %dma_start3A_49 = arith.constant 0 : i32
        %dma_start3A_50 = tpu.memref_slice %arg5[%add3A, %dma_start3A_48, %dma_start3A_49] : memref<1280x1x128xi32, #tpu.memory_space<hbm>> -> memref<40x1x128xi32, #tpu.memory_space<hbm>>
        tpu.enqueue_dma source(%dma_start3A_50 : memref<40x1x128xi32, #tpu.memory_space<hbm>>) target(%arg9 : memref<40x1x128xi32, #tpu.memory_space<vmem>>) target_semaphore(%run_scoped3A : memref<!tpu.dma_semaphore, #tpu.memory_space<semaphore_mem>>)
        %dma_wait3A = arith.constant 0 : i32
        %dma_wait3A_51 = arith.constant 0 : i32
        %dma_wait3A_52 = tpu.memref_slice %arg5[%add3A, %dma_wait3A, %dma_wait3A_51] : memref<1280x1x128xi32, #tpu.memory_space<hbm>> -> memref<40x1x128xi32, #tpu.memory_space<hbm>>
        %dma_wait3A_53 = arith.constant 0 : i32
        %dma_wait3A_54 = arith.constant 0 : i32
        %dma_wait3A_55 = tpu.memref_slice %arg5[%add3A, %dma_wait3A_53, %dma_wait3A_54] : memref<1280x1x128xi32, #tpu.memory_space<hbm>> -> memref<40x1x128xi32, #tpu.memory_space<hbm>>
        tpu.wait_dma2 semaphore(%run_scoped3A : memref<!tpu.dma_semaphore, #tpu.memory_space<semaphore_mem>>) src(%dma_wait3A_55 : memref<40x1x128xi32, #tpu.memory_space<hbm>>) dst(%arg9 : memref<40x1x128xi32, #tpu.memory_space<vmem>>)
        tpu.yield
      }) : () -> ()
      %eq3A = arith.constant 0 : i32
      %eq3A_16 = arith.cmpi eq, %arg0, %eq3A : i32
      %convert_element_type3A = arith.extui %eq3A_16 : i1 to i32
      %cond3A = arith.constant 0 : i32
      %cond3A_17 = arith.constant 0 : i32
      %cond3A_18 = arith.constant 0 : i32
      %cond3A_19 = arith.cmpi ne, %convert_element_type3A, %cond3A_18 : i32
      scf.if %cond3A_19 {
        %dma_start3A = arith.constant 0 : i32
        %dma_start3A_46 = arith.constant 0 : i32
        %dma_start3A_47 = arith.constant 0 : i32
        %dma_start3A_48 = arith.constant 0 : i32
        %dma_start3A_49 = tpu.memref_slice %arg10[%dma_start3A, %dma_start3A_47, %dma_start3A_48] : memref<2x128x128xf32, #tpu.memory_space<vmem>> -> memref<1x128x128xf32, #tpu.memory_space<vmem>>
        %dma_start3A_50 = tpu.memref_squeeze %dma_start3A_49 : memref<1x128x128xf32, #tpu.memory_space<vmem>> -> memref<128x128xf32, #tpu.memory_space<vmem>>
        %dma_start3A_51 = arith.constant 0 : i32
        %dma_start3A_52 = tpu.memref_slice %arg8[%cond3A, %cond3A_17, %dma_start3A_51] : memref<40x1x128xi32, #tpu.memory_space<vmem>> -> memref<1x1x128xi32, #tpu.memory_space<vmem>>
        %dma_start3A_53 = tpu.memref_squeeze %dma_start3A_52 : memref<1x1x128xi32, #tpu.memory_space<vmem>> -> memref<128xi32, #tpu.memory_space<vmem>>
        %dma_start3A_54 = arith.constant 0 : i32
        %dma_start3A_55 = arith.constant 0 : i32
        %dma_start3A_56 = tpu.memref_slice %arg2[%dma_start3A_54, %dma_start3A_55] : memref<10008x128xf32, #tpu.memory_space<hbm>> -> memref<10008x128xf32, #tpu.memory_space<hbm>>
        %dma_start3A_57 = tpu.memref_slice %arg12[%dma_start3A_46] : memref<2x!tpu.dma_semaphore, #tpu.memory_space<semaphore_mem>> -> memref<1x!tpu.dma_semaphore, #tpu.memory_space<semaphore_mem>>
        %dma_start3A_58 = tpu.memref_squeeze %dma_start3A_57 : memref<1x!tpu.dma_semaphore, #tpu.memory_space<semaphore_mem>> -> memref<!tpu.dma_semaphore, #tpu.memory_space<semaphore_mem>>
        tpu.enqueue_indirect_dma source(%dma_start3A_56 : memref<10008x128xf32, #tpu.memory_space<hbm>>) target(%dma_start3A_50 : memref<128x128xf32, #tpu.memory_space<vmem>>) offsets(%dma_start3A_53 : memref<128xi32, #tpu.memory_space<vmem>>) semaphore(%dma_start3A_58 : memref<!tpu.dma_semaphore, #tpu.memory_space<semaphore_mem>>)
      } else {
      }
      %eq3A_20 = arith.constant 1 : i32
      %eq3A_21 = arith.cmpi eq, %arg0, %eq3A_20 : i32
      %convert_element_type3A_22 = arith.extui %eq3A_21 : i1 to i32
      %cond3A_23 = arith.constant 0 : i32
      %cond3A_24 = arith.constant 0 : i32
      %cond3A_25 = arith.constant 0 : i32
      %cond3A_26 = arith.cmpi ne, %convert_element_type3A_22, %cond3A_25 : i32
      scf.if %cond3A_26 {
        %dma_start3A = arith.constant 0 : i32
        %dma_start3A_46 = arith.constant 0 : i32
        %dma_start3A_47 = arith.constant 0 : i32
        %dma_start3A_48 = arith.constant 0 : i32
        %dma_start3A_49 = tpu.memref_slice %arg10[%dma_start3A, %dma_start3A_47, %dma_start3A_48] : memref<2x128x128xf32, #tpu.memory_space<vmem>> -> memref<1x128x128xf32, #tpu.memory_space<vmem>>
        %dma_start3A_50 = tpu.memref_squeeze %dma_start3A_49 : memref<1x128x128xf32, #tpu.memory_space<vmem>> -> memref<128x128xf32, #tpu.memory_space<vmem>>
        %dma_start3A_51 = arith.constant 0 : i32
        %dma_start3A_52 = tpu.memref_slice %arg8[%cond3A_23, %cond3A_24, %dma_start3A_51] : memref<40x1x128xi32, #tpu.memory_space<vmem>> -> memref<1x1x128xi32, #tpu.memory_space<vmem>>
        %dma_start3A_53 = tpu.memref_squeeze %dma_start3A_52 : memref<1x1x128xi32, #tpu.memory_space<vmem>> -> memref<128xi32, #tpu.memory_space<vmem>>
        %dma_start3A_54 = arith.constant 0 : i32
        %dma_start3A_55 = arith.constant 0 : i32
        %dma_start3A_56 = tpu.memref_slice %arg3[%dma_start3A_54, %dma_start3A_55] : memref<10008x128xf32, #tpu.memory_space<hbm>> -> memref<10008x128xf32, #tpu.memory_space<hbm>>
        %dma_start3A_57 = tpu.memref_slice %arg12[%dma_start3A_46] : memref<2x!tpu.dma_semaphore, #tpu.memory_space<semaphore_mem>> -> memref<1x!tpu.dma_semaphore, #tpu.memory_space<semaphore_mem>>
        %dma_start3A_58 = tpu.memref_squeeze %dma_start3A_57 : memref<1x!tpu.dma_semaphore, #tpu.memory_space<semaphore_mem>> -> memref<!tpu.dma_semaphore, #tpu.memory_space<semaphore_mem>>
        tpu.enqueue_indirect_dma source(%dma_start3A_56 : memref<10008x128xf32, #tpu.memory_space<hbm>>) target(%dma_start3A_50 : memref<128x128xf32, #tpu.memory_space<vmem>>) offsets(%dma_start3A_53 : memref<128xi32, #tpu.memory_space<vmem>>) semaphore(%dma_start3A_58 : memref<!tpu.dma_semaphore, #tpu.memory_space<semaphore_mem>>)
      } else {
      }
      %eq3A_27 = arith.constant 0 : i32
      %eq3A_28 = arith.cmpi eq, %arg0, %eq3A_27 : i32
      %convert_element_type3A_29 = arith.extui %eq3A_28 : i1 to i32
      %cond3A_30 = arith.constant 1 : i32
      %cond3A_31 = arith.constant 0 : i32
      %cond3A_32 = arith.constant 0 : i32
      %cond3A_33 = arith.cmpi ne, %convert_element_type3A_29, %cond3A_32 : i32
      scf.if %cond3A_33 {
        %dma_start3A = arith.constant 1 : i32
        %dma_start3A_46 = arith.constant 1 : i32
        %dma_start3A_47 = arith.constant 0 : i32
        %dma_start3A_48 = arith.constant 0 : i32
        %dma_start3A_49 = tpu.memref_slice %arg10[%dma_start3A, %dma_start3A_47, %dma_start3A_48] : memref<2x128x128xf32, #tpu.memory_space<vmem>> -> memref<1x128x128xf32, #tpu.memory_space<vmem>>
        %dma_start3A_50 = tpu.memref_squeeze %dma_start3A_49 : memref<1x128x128xf32, #tpu.memory_space<vmem>> -> memref<128x128xf32, #tpu.memory_space<vmem>>
        %dma_start3A_51 = arith.constant 0 : i32
        %dma_start3A_52 = tpu.memref_slice %arg8[%cond3A_30, %cond3A_31, %dma_start3A_51] : memref<40x1x128xi32, #tpu.memory_space<vmem>> -> memref<1x1x128xi32, #tpu.memory_space<vmem>>
        %dma_start3A_53 = tpu.memref_squeeze %dma_start3A_52 : memref<1x1x128xi32, #tpu.memory_space<vmem>> -> memref<128xi32, #tpu.memory_space<vmem>>
        %dma_start3A_54 = arith.constant 0 : i32
        %dma_start3A_55 = arith.constant 0 : i32
        %dma_start3A_56 = tpu.memref_slice %arg2[%dma_start3A_54, %dma_start3A_55] : memref<10008x128xf32, #tpu.memory_space<hbm>> -> memref<10008x128xf32, #tpu.memory_space<hbm>>
        %dma_start3A_57 = tpu.memref_slice %arg12[%dma_start3A_46] : memref<2x!tpu.dma_semaphore, #tpu.memory_space<semaphore_mem>> -> memref<1x!tpu.dma_semaphore, #tpu.memory_space<semaphore_mem>>
        %dma_start3A_58 = tpu.memref_squeeze %dma_start3A_57 : memref<1x!tpu.dma_semaphore, #tpu.memory_space<semaphore_mem>> -> memref<!tpu.dma_semaphore, #tpu.memory_space<semaphore_mem>>
        tpu.enqueue_indirect_dma source(%dma_start3A_56 : memref<10008x128xf32, #tpu.memory_space<hbm>>) target(%dma_start3A_50 : memref<128x128xf32, #tpu.memory_space<vmem>>) offsets(%dma_start3A_53 : memref<128xi32, #tpu.memory_space<vmem>>) semaphore(%dma_start3A_58 : memref<!tpu.dma_semaphore, #tpu.memory_space<semaphore_mem>>)
      } else {
      }
      %eq3A_34 = arith.constant 1 : i32
      %eq3A_35 = arith.cmpi eq, %arg0, %eq3A_34 : i32
      %convert_element_type3A_36 = arith.extui %eq3A_35 : i1 to i32
      %cond3A_37 = arith.constant 1 : i32
      %cond3A_38 = arith.constant 0 : i32
      %cond3A_39 = arith.constant 0 : i32
      %cond3A_40 = arith.cmpi ne, %convert_element_type3A_36, %cond3A_39 : i32
      scf.if %cond3A_40 {
        %dma_start3A = arith.constant 1 : i32
        %dma_start3A_46 = arith.constant 1 : i32
        %dma_start3A_47 = arith.constant 0 : i32
        %dma_start3A_48 = arith.constant 0 : i32
        %dma_start3A_49 = tpu.memref_slice %arg10[%dma_start3A, %dma_start3A_47, %dma_start3A_48] : memref<2x128x128xf32, #tpu.memory_space<vmem>> -> memref<1x128x128xf32, #tpu.memory_space<vmem>>
        %dma_start3A_50 = tpu.memref_squeeze %dma_start3A_49 : memref<1x128x128xf32, #tpu.memory_space<vmem>> -> memref<128x128xf32, #tpu.memory_space<vmem>>
        %dma_start3A_51 = arith.constant 0 : i32
        %dma_start3A_52 = tpu.memref_slice %arg8[%cond3A_37, %cond3A_38, %dma_start3A_51] : memref<40x1x128xi32, #tpu.memory_space<vmem>> -> memref<1x1x128xi32, #tpu.memory_space<vmem>>
        %dma_start3A_53 = tpu.memref_squeeze %dma_start3A_52 : memref<1x1x128xi32, #tpu.memory_space<vmem>> -> memref<128xi32, #tpu.memory_space<vmem>>
        %dma_start3A_54 = arith.constant 0 : i32
        %dma_start3A_55 = arith.constant 0 : i32
        %dma_start3A_56 = tpu.memref_slice %arg3[%dma_start3A_54, %dma_start3A_55] : memref<10008x128xf32, #tpu.memory_space<hbm>> -> memref<10008x128xf32, #tpu.memory_space<hbm>>
        %dma_start3A_57 = tpu.memref_slice %arg12[%dma_start3A_46] : memref<2x!tpu.dma_semaphore, #tpu.memory_space<semaphore_mem>> -> memref<1x!tpu.dma_semaphore, #tpu.memory_space<semaphore_mem>>
        %dma_start3A_58 = tpu.memref_squeeze %dma_start3A_57 : memref<1x!tpu.dma_semaphore, #tpu.memory_space<semaphore_mem>> -> memref<!tpu.dma_semaphore, #tpu.memory_space<semaphore_mem>>
        tpu.enqueue_indirect_dma source(%dma_start3A_56 : memref<10008x128xf32, #tpu.memory_space<hbm>>) target(%dma_start3A_50 : memref<128x128xf32, #tpu.memory_space<vmem>>) offsets(%dma_start3A_53 : memref<128xi32, #tpu.memory_space<vmem>>) semaphore(%dma_start3A_58 : memref<!tpu.dma_semaphore, #tpu.memory_space<semaphore_mem>>)
      } else {
      }
      %scan3A_41 = arith.constant 0 : i32
      %scan3A_42 = arith.constant 20 : i32
      %scan3A_43 = arith.addi %scan3A_41, %scan3A_42 : i32
      %scan3A_44 = arith.constant 1 : i32
      scf.for %scan3A_46 = %scan3A_41 to %scan3A_43 step %scan3A_44  : i32 {
        %mul3A_47 = arith.constant 2 : i32
        %mul3A_48 = arith.muli %scan3A_46, %mul3A_47 : i32
        %add3A_49 = arith.constant 0 : i32
        %add3A_50 = arith.addi %mul3A_48, %add3A_49 : i32
        %dma_wait3A = arith.constant 0 : i32
        %dma_wait3A_51 = arith.constant 0 : i32
        %dma_wait3A_52 = arith.constant 0 : i32
        %dma_wait3A_53 = arith.constant 0 : i32
        %dma_wait3A_54 = arith.constant 0 : i32
        %dma_wait3A_55 = tpu.memref_slice %arg10[%dma_wait3A_51, %dma_wait3A_53, %dma_wait3A_54] : memref<2x128x128xf32, #tpu.memory_space<vmem>> -> memref<1x128x128xf32, #tpu.memory_space<vmem>>
        %dma_wait3A_56 = tpu.memref_squeeze %dma_wait3A_55 : memref<1x128x128xf32, #tpu.memory_space<vmem>> -> memref<128x128xf32, #tpu.memory_space<vmem>>
        %dma_wait3A_57 = arith.constant 0 : i32
        %dma_wait3A_58 = tpu.memref_slice %arg8[%add3A_50, %dma_wait3A, %dma_wait3A_57] : memref<40x1x128xi32, #tpu.memory_space<vmem>> -> memref<1x1x128xi32, #tpu.memory_space<vmem>>
        %dma_wait3A_59 = tpu.memref_squeeze %dma_wait3A_58 : memref<1x1x128xi32, #tpu.memory_space<vmem>> -> memref<128xi32, #tpu.memory_space<vmem>>
        %dma_wait3A_60 = arith.constant 0 : i32
        %dma_wait3A_61 = arith.constant 0 : i32
        %dma_wait3A_62 = tpu.memref_slice %arg2[%dma_wait3A_60, %dma_wait3A_61] : memref<10008x128xf32, #tpu.memory_space<hbm>> -> memref<10008x128xf32, #tpu.memory_space<hbm>>
        %dma_wait3A_63 = tpu.memref_slice %arg12[%dma_wait3A_52] : memref<2x!tpu.dma_semaphore, #tpu.memory_space<semaphore_mem>> -> memref<1x!tpu.dma_semaphore, #tpu.memory_space<semaphore_mem>>
        %dma_wait3A_64 = tpu.memref_squeeze %dma_wait3A_63 : memref<1x!tpu.dma_semaphore, #tpu.memory_space<semaphore_mem>> -> memref<!tpu.dma_semaphore, #tpu.memory_space<semaphore_mem>>
        tpu.wait_indirect_dma semaphore(%dma_wait3A_64 : memref<!tpu.dma_semaphore, #tpu.memory_space<semaphore_mem>>) src(%dma_wait3A_62 : memref<10008x128xf32, #tpu.memory_space<hbm>>) dst(%dma_wait3A_56 : memref<128x128xf32, #tpu.memory_space<vmem>>)
        %add3A_65 = arith.constant 1 : i32
        %add3A_66 = arith.addi %mul3A_48, %add3A_65 : i32
        %dma_wait3A_67 = arith.constant 0 : i32
        %dma_wait3A_68 = arith.constant 1 : i32
        %dma_wait3A_69 = arith.constant 1 : i32
        %dma_wait3A_70 = arith.constant 0 : i32
        %dma_wait3A_71 = arith.constant 0 : i32
        %dma_wait3A_72 = tpu.memref_slice %arg10[%dma_wait3A_68, %dma_wait3A_70, %dma_wait3A_71] : memref<2x128x128xf32, #tpu.memory_space<vmem>> -> memref<1x128x128xf32, #tpu.memory_space<vmem>>
        %dma_wait3A_73 = tpu.memref_squeeze %dma_wait3A_72 : memref<1x128x128xf32, #tpu.memory_space<vmem>> -> memref<128x128xf32, #tpu.memory_space<vmem>>
        %dma_wait3A_74 = arith.constant 0 : i32
        %dma_wait3A_75 = tpu.memref_slice %arg8[%add3A_66, %dma_wait3A_67, %dma_wait3A_74] : memref<40x1x128xi32, #tpu.memory_space<vmem>> -> memref<1x1x128xi32, #tpu.memory_space<vmem>>
        %dma_wait3A_76 = tpu.memref_squeeze %dma_wait3A_75 : memref<1x1x128xi32, #tpu.memory_space<vmem>> -> memref<128xi32, #tpu.memory_space<vmem>>
        %dma_wait3A_77 = arith.constant 0 : i32
        %dma_wait3A_78 = arith.constant 0 : i32
        %dma_wait3A_79 = tpu.memref_slice %arg2[%dma_wait3A_77, %dma_wait3A_78] : memref<10008x128xf32, #tpu.memory_space<hbm>> -> memref<10008x128xf32, #tpu.memory_space<hbm>>
        %dma_wait3A_80 = tpu.memref_slice %arg12[%dma_wait3A_69] : memref<2x!tpu.dma_semaphore, #tpu.memory_space<semaphore_mem>> -> memref<1x!tpu.dma_semaphore, #tpu.memory_space<semaphore_mem>>
        %dma_wait3A_81 = tpu.memref_squeeze %dma_wait3A_80 : memref<1x!tpu.dma_semaphore, #tpu.memory_space<semaphore_mem>> -> memref<!tpu.dma_semaphore, #tpu.memory_space<semaphore_mem>>
        tpu.wait_indirect_dma semaphore(%dma_wait3A_81 : memref<!tpu.dma_semaphore, #tpu.memory_space<semaphore_mem>>) src(%dma_wait3A_79 : memref<10008x128xf32, #tpu.memory_space<hbm>>) dst(%dma_wait3A_73 : memref<128x128xf32, #tpu.memory_space<vmem>>)
        %add3A_82 = arith.constant 0 : i32
        %add3A_83 = arith.addi %mul3A_48, %add3A_82 : i32
        %add3A_84 = arith.constant 2 : i32
        %add3A_85 = arith.addi %add3A_83, %add3A_84 : i32
        %lt3A = arith.constant 40 : i32
        %lt3A_86 = arith.cmpi slt, %add3A_85, %lt3A : i32
        %convert_element_type3A_87 = arith.extui %lt3A_86 : i1 to i32
        %cond3A_88 = arith.constant 0 : i32
        %cond3A_89 = arith.cmpi ne, %convert_element_type3A_87, %cond3A_88 : i32
        scf.if %cond3A_89 {
          %add3A_99 = arith.constant 2 : i32
          %add3A_100 = arith.addi %add3A_83, %add3A_99 : i32
          %eq3A_101 = arith.constant 0 : i32
          %eq3A_102 = arith.cmpi eq, %arg0, %eq3A_101 : i32
          %convert_element_type3A_103 = arith.extui %eq3A_102 : i1 to i32
          %cond3A_104 = arith.constant 0 : i32
          %cond3A_105 = arith.constant 0 : i32
          %cond3A_106 = arith.cmpi ne, %convert_element_type3A_103, %cond3A_105 : i32
          scf.if %cond3A_106 {
            %dma_start3A = arith.constant 0 : i32
            %dma_start3A_113 = arith.constant 0 : i32
            %dma_start3A_114 = arith.constant 0 : i32
            %dma_start3A_115 = arith.constant 0 : i32
            %dma_start3A_116 = tpu.memref_slice %arg10[%dma_start3A, %dma_start3A_114, %dma_start3A_115] : memref<2x128x128xf32, #tpu.memory_space<vmem>> -> memref<1x128x128xf32, #tpu.memory_space<vmem>>
            %dma_start3A_117 = tpu.memref_squeeze %dma_start3A_116 : memref<1x128x128xf32, #tpu.memory_space<vmem>> -> memref<128x128xf32, #tpu.memory_space<vmem>>
            %dma_start3A_118 = arith.constant 0 : i32
            %dma_start3A_119 = tpu.memref_slice %arg8[%add3A_100, %cond3A_104, %dma_start3A_118] : memref<40x1x128xi32, #tpu.memory_space<vmem>> -> memref<1x1x128xi32, #tpu.memory_space<vmem>>
            %dma_start3A_120 = tpu.memref_squeeze %dma_start3A_119 : memref<1x1x128xi32, #tpu.memory_space<vmem>> -> memref<128xi32, #tpu.memory_space<vmem>>
            %dma_start3A_121 = arith.constant 0 : i32
            %dma_start3A_122 = arith.constant 0 : i32
            %dma_start3A_123 = tpu.memref_slice %arg2[%dma_start3A_121, %dma_start3A_122] : memref<10008x128xf32, #tpu.memory_space<hbm>> -> memref<10008x128xf32, #tpu.memory_space<hbm>>
            %dma_start3A_124 = tpu.memref_slice %arg12[%dma_start3A_113] : memref<2x!tpu.dma_semaphore, #tpu.memory_space<semaphore_mem>> -> memref<1x!tpu.dma_semaphore, #tpu.memory_space<semaphore_mem>>
            %dma_start3A_125 = tpu.memref_squeeze %dma_start3A_124 : memref<1x!tpu.dma_semaphore, #tpu.memory_space<semaphore_mem>> -> memref<!tpu.dma_semaphore, #tpu.memory_space<semaphore_mem>>
            tpu.enqueue_indirect_dma source(%dma_start3A_123 : memref<10008x128xf32, #tpu.memory_space<hbm>>) target(%dma_start3A_117 : memref<128x128xf32, #tpu.memory_space<vmem>>) offsets(%dma_start3A_120 : memref<128xi32, #tpu.memory_space<vmem>>) semaphore(%dma_start3A_125 : memref<!tpu.dma_semaphore, #tpu.memory_space<semaphore_mem>>)
          } else {
          }
          %eq3A_107 = arith.constant 1 : i32
          %eq3A_108 = arith.cmpi eq, %arg0, %eq3A_107 : i32
          %convert_element_type3A_109 = arith.extui %eq3A_108 : i1 to i32
          %cond3A_110 = arith.constant 0 : i32
          %cond3A_111 = arith.constant 0 : i32
          %cond3A_112 = arith.cmpi ne, %convert_element_type3A_109, %cond3A_111 : i32
          scf.if %cond3A_112 {
            %dma_start3A = arith.constant 0 : i32
            %dma_start3A_113 = arith.constant 0 : i32
            %dma_start3A_114 = arith.constant 0 : i32
            %dma_start3A_115 = arith.constant 0 : i32
            %dma_start3A_116 = tpu.memref_slice %arg10[%dma_start3A, %dma_start3A_114, %dma_start3A_115] : memref<2x128x128xf32, #tpu.memory_space<vmem>> -> memref<1x128x128xf32, #tpu.memory_space<vmem>>
            %dma_start3A_117 = tpu.memref_squeeze %dma_start3A_116 : memref<1x128x128xf32, #tpu.memory_space<vmem>> -> memref<128x128xf32, #tpu.memory_space<vmem>>
            %dma_start3A_118 = arith.constant 0 : i32
            %dma_start3A_119 = tpu.memref_slice %arg8[%add3A_100, %cond3A_110, %dma_start3A_118] : memref<40x1x128xi32, #tpu.memory_space<vmem>> -> memref<1x1x128xi32, #tpu.memory_space<vmem>>
            %dma_start3A_120 = tpu.memref_squeeze %dma_start3A_119 : memref<1x1x128xi32, #tpu.memory_space<vmem>> -> memref<128xi32, #tpu.memory_space<vmem>>
            %dma_start3A_121 = arith.constant 0 : i32
            %dma_start3A_122 = arith.constant 0 : i32
            %dma_start3A_123 = tpu.memref_slice %arg3[%dma_start3A_121, %dma_start3A_122] : memref<10008x128xf32, #tpu.memory_space<hbm>> -> memref<10008x128xf32, #tpu.memory_space<hbm>>
            %dma_start3A_124 = tpu.memref_slice %arg12[%dma_start3A_113] : memref<2x!tpu.dma_semaphore, #tpu.memory_space<semaphore_mem>> -> memref<1x!tpu.dma_semaphore, #tpu.memory_space<semaphore_mem>>
            %dma_start3A_125 = tpu.memref_squeeze %dma_start3A_124 : memref<1x!tpu.dma_semaphore, #tpu.memory_space<semaphore_mem>> -> memref<!tpu.dma_semaphore, #tpu.memory_space<semaphore_mem>>
            tpu.enqueue_indirect_dma source(%dma_start3A_123 : memref<10008x128xf32, #tpu.memory_space<hbm>>) target(%dma_start3A_117 : memref<128x128xf32, #tpu.memory_space<vmem>>) offsets(%dma_start3A_120 : memref<128xi32, #tpu.memory_space<vmem>>) semaphore(%dma_start3A_125 : memref<!tpu.dma_semaphore, #tpu.memory_space<semaphore_mem>>)
          } else {
          }
        } else {
        }
        %add3A_90 = arith.constant 1 : i32
        %add3A_91 = arith.addi %mul3A_48, %add3A_90 : i32
        %add3A_92 = arith.constant 2 : i32
        %add3A_93 = arith.addi %add3A_91, %add3A_92 : i32
        %lt3A_94 = arith.constant 40 : i32
        %lt3A_95 = arith.cmpi slt, %add3A_93, %lt3A_94 : i32
        %convert_element_type3A_96 = arith.extui %lt3A_95 : i1 to i32
        %cond3A_97 = arith.constant 0 : i32
        %cond3A_98 = arith.cmpi ne, %convert_element_type3A_96, %cond3A_97 : i32
        scf.if %cond3A_98 {
          %add3A_99 = arith.constant 2 : i32
          %add3A_100 = arith.addi %add3A_91, %add3A_99 : i32
          %eq3A_101 = arith.constant 0 : i32
          %eq3A_102 = arith.cmpi eq, %arg0, %eq3A_101 : i32
          %convert_element_type3A_103 = arith.extui %eq3A_102 : i1 to i32
          %cond3A_104 = arith.constant 0 : i32
          %cond3A_105 = arith.constant 0 : i32
          %cond3A_106 = arith.cmpi ne, %convert_element_type3A_103, %cond3A_105 : i32
          scf.if %cond3A_106 {
            %dma_start3A = arith.constant 1 : i32
            %dma_start3A_113 = arith.constant 1 : i32
            %dma_start3A_114 = arith.constant 0 : i32
            %dma_start3A_115 = arith.constant 0 : i32
            %dma_start3A_116 = tpu.memref_slice %arg10[%dma_start3A, %dma_start3A_114, %dma_start3A_115] : memref<2x128x128xf32, #tpu.memory_space<vmem>> -> memref<1x128x128xf32, #tpu.memory_space<vmem>>
            %dma_start3A_117 = tpu.memref_squeeze %dma_start3A_116 : memref<1x128x128xf32, #tpu.memory_space<vmem>> -> memref<128x128xf32, #tpu.memory_space<vmem>>
            %dma_start3A_118 = arith.constant 0 : i32
            %dma_start3A_119 = tpu.memref_slice %arg8[%add3A_100, %cond3A_104, %dma_start3A_118] : memref<40x1x128xi32, #tpu.memory_space<vmem>> -> memref<1x1x128xi32, #tpu.memory_space<vmem>>
            %dma_start3A_120 = tpu.memref_squeeze %dma_start3A_119 : memref<1x1x128xi32, #tpu.memory_space<vmem>> -> memref<128xi32, #tpu.memory_space<vmem>>
            %dma_start3A_121 = arith.constant 0 : i32
            %dma_start3A_122 = arith.constant 0 : i32
            %dma_start3A_123 = tpu.memref_slice %arg2[%dma_start3A_121, %dma_start3A_122] : memref<10008x128xf32, #tpu.memory_space<hbm>> -> memref<10008x128xf32, #tpu.memory_space<hbm>>
            %dma_start3A_124 = tpu.memref_slice %arg12[%dma_start3A_113] : memref<2x!tpu.dma_semaphore, #tpu.memory_space<semaphore_mem>> -> memref<1x!tpu.dma_semaphore, #tpu.memory_space<semaphore_mem>>
            %dma_start3A_125 = tpu.memref_squeeze %dma_start3A_124 : memref<1x!tpu.dma_semaphore, #tpu.memory_space<semaphore_mem>> -> memref<!tpu.dma_semaphore, #tpu.memory_space<semaphore_mem>>
            tpu.enqueue_indirect_dma source(%dma_start3A_123 : memref<10008x128xf32, #tpu.memory_space<hbm>>) target(%dma_start3A_117 : memref<128x128xf32, #tpu.memory_space<vmem>>) offsets(%dma_start3A_120 : memref<128xi32, #tpu.memory_space<vmem>>) semaphore(%dma_start3A_125 : memref<!tpu.dma_semaphore, #tpu.memory_space<semaphore_mem>>)
          } else {
          }
          %eq3A_107 = arith.constant 1 : i32
          %eq3A_108 = arith.cmpi eq, %arg0, %eq3A_107 : i32
          %convert_element_type3A_109 = arith.extui %eq3A_108 : i1 to i32
          %cond3A_110 = arith.constant 0 : i32
          %cond3A_111 = arith.constant 0 : i32
          %cond3A_112 = arith.cmpi ne, %convert_element_type3A_109, %cond3A_111 : i32
          scf.if %cond3A_112 {
            %dma_start3A = arith.constant 1 : i32
            %dma_start3A_113 = arith.constant 1 : i32
            %dma_start3A_114 = arith.constant 0 : i32
            %dma_start3A_115 = arith.constant 0 : i32
            %dma_start3A_116 = tpu.memref_slice %arg10[%dma_start3A, %dma_start3A_114, %dma_start3A_115] : memref<2x128x128xf32, #tpu.memory_space<vmem>> -> memref<1x128x128xf32, #tpu.memory_space<vmem>>
            %dma_start3A_117 = tpu.memref_squeeze %dma_start3A_116 : memref<1x128x128xf32, #tpu.memory_space<vmem>> -> memref<128x128xf32, #tpu.memory_space<vmem>>
            %dma_start3A_118 = arith.constant 0 : i32
            %dma_start3A_119 = tpu.memref_slice %arg8[%add3A_100, %cond3A_110, %dma_start3A_118] : memref<40x1x128xi32, #tpu.memory_space<vmem>> -> memref<1x1x128xi32, #tpu.memory_space<vmem>>
            %dma_start3A_120 = tpu.memref_squeeze %dma_start3A_119 : memref<1x1x128xi32, #tpu.memory_space<vmem>> -> memref<128xi32, #tpu.memory_space<vmem>>
            %dma_start3A_121 = arith.constant 0 : i32
            %dma_start3A_122 = arith.constant 0 : i32
            %dma_start3A_123 = tpu.memref_slice %arg3[%dma_start3A_121, %dma_start3A_122] : memref<10008x128xf32, #tpu.memory_space<hbm>> -> memref<10008x128xf32, #tpu.memory_space<hbm>>
            %dma_start3A_124 = tpu.memref_slice %arg12[%dma_start3A_113] : memref<2x!tpu.dma_semaphore, #tpu.memory_space<semaphore_mem>> -> memref<1x!tpu.dma_semaphore, #tpu.memory_space<semaphore_mem>>
            %dma_start3A_125 = tpu.memref_squeeze %dma_start3A_124 : memref<1x!tpu.dma_semaphore, #tpu.memory_space<semaphore_mem>> -> memref<!tpu.dma_semaphore, #tpu.memory_space<semaphore_mem>>
            tpu.enqueue_indirect_dma source(%dma_start3A_123 : memref<10008x128xf32, #tpu.memory_space<hbm>>) target(%dma_start3A_117 : memref<128x128xf32, #tpu.memory_space<vmem>>) offsets(%dma_start3A_120 : memref<128xi32, #tpu.memory_space<vmem>>) semaphore(%dma_start3A_125 : memref<!tpu.dma_semaphore, #tpu.memory_space<semaphore_mem>>)
          } else {
          }
        } else {
        }
      }
      %scan3A_45 = arith.constant 20 : i32
    }
    %scan3A_7 = arith.constant 2 : i32
    %barrier3A_8 = arith.constant 0 : index
    tpu.barrier barrier_id(%barrier3A_8)
    %mul3A_9 = arith.constant 632 : i32
    %mul3A_10 = arith.muli %arg1, %mul3A_9 : i32
    %mul3A_11 = arith.constant 632 : i32
    %mul3A_12 = arith.muli %arg1, %mul3A_11 : i32
    "tpu.region"() ({
      %run_scoped3A = tpu.sem_alloc : memref<!tpu.dma_semaphore, #tpu.memory_space<semaphore_mem>>
      %dma_start3A = arith.constant 0 : i32
      %dma_start3A_13 = tpu.memref_slice %arg7[%arg0, %mul3A_12, %dma_start3A] : memref<2x10112x128xf32, #tpu.memory_space<hbm>> -> memref<1x632x128xf32, #tpu.memory_space<hbm>>
      %dma_start3A_14 = tpu.memref_squeeze %dma_start3A_13 : memref<1x632x128xf32, #tpu.memory_space<hbm>> -> memref<632x128xf32, #tpu.memory_space<hbm>>
      %dma_start3A_15 = arith.constant 0 : i32
      %dma_start3A_16 = tpu.memref_slice %arg11[%mul3A_10, %dma_start3A_15] : memref<10112x128xf32, #tpu.memory_space<vmem_shared>> -> memref<632x128xf32, #tpu.memory_space<vmem_shared>>
      tpu.enqueue_dma source(%dma_start3A_16 : memref<632x128xf32, #tpu.memory_space<vmem_shared>>) target(%dma_start3A_14 : memref<632x128xf32, #tpu.memory_space<hbm>>) target_semaphore(%run_scoped3A : memref<!tpu.dma_semaphore, #tpu.memory_space<semaphore_mem>>)
      %dma_wait3A = arith.constant 0 : i32
      %dma_wait3A_17 = tpu.memref_slice %arg7[%arg0, %mul3A_12, %dma_wait3A] : memref<2x10112x128xf32, #tpu.memory_space<hbm>> -> memref<1x632x128xf32, #tpu.memory_space<hbm>>
      %dma_wait3A_18 = tpu.memref_squeeze %dma_wait3A_17 : memref<1x632x128xf32, #tpu.memory_space<hbm>> -> memref<632x128xf32, #tpu.memory_space<hbm>>
      %dma_wait3A_19 = arith.constant 0 : i32
      %dma_wait3A_20 = tpu.memref_slice %arg11[%mul3A_10, %dma_wait3A_19] : memref<10112x128xf32, #tpu.memory_space<vmem_shared>> -> memref<632x128xf32, #tpu.memory_space<vmem_shared>>
      tpu.wait_dma2 semaphore(%run_scoped3A : memref<!tpu.dma_semaphore, #tpu.memory_space<semaphore_mem>>) src(%dma_wait3A_20 : memref<632x128xf32, #tpu.memory_space<vmem_shared>>) dst(%dma_wait3A_18 : memref<632x128xf32, #tpu.memory_space<hbm>>)
      tpu.yield
    }) : () -> ()
    return
  }
}

module attributes {stable_mosaic.version = 14 : i64} {
  func.func @_mlp_body(%arg0: i32, %arg1: memref<2000x128xf32, #tpu.memory_space<vmem>>, %arg2: memref<2000x128xf32, #tpu.memory_space<vmem>>, %arg3: memref<1x2000x128xf32, #tpu.memory_space<vmem>>, %arg4: memref<1x2000x128xf32, #tpu.memory_space<vmem>>, %arg5: memref<256x256xf32, #tpu.memory_space<vmem>>, %arg6: memref<1x256xf32, #tpu.memory_space<vmem>>, %arg7: memref<1x1xf32, #tpu.memory_space<vmem>>, %arg8: memref<2000x128xf32, #tpu.memory_space<vmem>>, %arg9: memref<2000x128xf32, #tpu.memory_space<vmem>>) attributes {dimension_semantics = [#tpu.dimension_semantics<arbitrary>], iteration_bounds = array<i64: 5>, scalar_prefetch = 0 : i64, scratch_operands = 0 : i64, tpu.core_type = #tpu.core_type<tc>, window_params = [{transform_indices = @transform_0, window_bounds = array<i64: 2000, 128>}, {transform_indices = @transform_1, window_bounds = array<i64: 2000, 128>}, {transform_indices = @transform_2, window_bounds = array<i64: 1, 2000, 128>}, {transform_indices = @transform_3, window_bounds = array<i64: 1, 2000, 128>}, {pipeline_mode = #tpu.pipeline_mode<synchronous>, transform_indices = @transform_4, window_bounds = array<i64: 256, 256>}, {pipeline_mode = #tpu.pipeline_mode<synchronous>, transform_indices = @transform_5, window_bounds = array<i64: 1, 256>}, {pipeline_mode = #tpu.pipeline_mode<synchronous>, transform_indices = @transform_6, window_bounds = array<i64: 1, 1>}, {transform_indices = @transform_7, window_bounds = array<i64: 2000, 128>}, {transform_indices = @transform_8, window_bounds = array<i64: 2000, 128>}]} {
    %get3A = arith.constant 0 : index
    %get3A_0 = arith.constant 0 : index
    %get3A_1 = vector.load %arg7[%get3A, %get3A_0] : memref<1x1xf32, #tpu.memory_space<vmem>>, vector<1x1xf32>
    %get3A_2 = vector.extract %get3A_1[0, 0] : f32 from vector<1x1xf32>
    %add3A = arith.constant 1.000000e+00 : f32
    %add3A_3 = arith.addf %add3A, %get3A_2 : f32
    %get3A_4 = arith.constant 0 : index
    %get3A_5 = arith.constant 0 : index
    %get3A_6 = vector.load %arg1[%get3A_4, %get3A_5] : memref<2000x128xf32, #tpu.memory_space<vmem>>, vector<2000x128xf32>
    %mul3A = vector.broadcast %add3A_3 : f32 to vector<2000x128xf32>
    %mul3A_7 = arith.mulf %mul3A, %get3A_6 : vector<2000x128xf32>
    %get3A_8 = arith.constant 0 : index
    %get3A_9 = arith.constant 0 : index
    %get3A_10 = arith.constant 0 : index
    %get3A_11 = vector.load %arg3[%get3A_8, %get3A_9, %get3A_10] : memref<1x2000x128xf32, #tpu.memory_space<vmem>>, vector<1x2000x128xf32>
    %get3A_12 = vector.shape_cast %get3A_11 : vector<1x2000x128xf32> to vector<2000x128xf32>
    %add3A_13 = arith.addf %mul3A_7, %get3A_12 : vector<2000x128xf32>
    %get3A_14 = arith.constant 0 : index
    %get3A_15 = arith.constant 0 : index
    %get3A_16 = vector.load %arg2[%get3A_14, %get3A_15] : memref<2000x128xf32, #tpu.memory_space<vmem>>, vector<2000x128xf32>
    %mul3A_17 = vector.broadcast %add3A_3 : f32 to vector<2000x128xf32>
    %mul3A_18 = arith.mulf %mul3A_17, %get3A_16 : vector<2000x128xf32>
    %get3A_19 = arith.constant 0 : index
    %get3A_20 = arith.constant 0 : index
    %get3A_21 = arith.constant 0 : index
    %get3A_22 = vector.load %arg4[%get3A_19, %get3A_20, %get3A_21] : memref<1x2000x128xf32, #tpu.memory_space<vmem>>, vector<1x2000x128xf32>
    %get3A_23 = vector.shape_cast %get3A_22 : vector<1x2000x128xf32> to vector<2000x128xf32>
    %add3A_24 = arith.addf %mul3A_18, %get3A_23 : vector<2000x128xf32>
    %concatenate3A = tpu.concatenate %add3A_13, %add3A_24 in 1 : vector<2000x128xf32>, vector<2000x128xf32> -> vector<2000x256xf32>
    %get3A_25 = arith.constant 0 : index
    %get3A_26 = arith.constant 0 : index
    %get3A_27 = vector.load %arg5[%get3A_25, %get3A_26] : memref<256x256xf32, #tpu.memory_space<vmem>>, vector<256x256xf32>
    %dot_general3A = arith.constant dense<0.000000e+00> : vector<2000x256xf32>
    %dot_general3A_28 = tpu.matmul %concatenate3A, %get3A_27, %dot_general3A {dimension_numbers = #tpu.dot_dimension_numbers<[1], [0], [0], [1], [0, 0, 1, 1], [], []>, transpose_lhs_hint = false} : vector<2000x256xf32>, vector<256x256xf32>, vector<2000x256xf32> -> vector<2000x256xf32>
    %get3A_29 = arith.constant 0 : index
    %get3A_30 = arith.constant 0 : index
    %get3A_31 = vector.load %arg6[%get3A_29, %get3A_30] : memref<1x256xf32, #tpu.memory_space<vmem>>, vector<1x256xf32>
    %add3A_32 = vector.broadcast %get3A_31 : vector<1x256xf32> to vector<2000x256xf32>
    %add3A_33 = arith.addf %dot_general3A_28, %add3A_32 : vector<2000x256xf32>
    %max3A = arith.constant 0.000000e+00 : f32
    %max3A_34 = vector.broadcast %max3A : f32 to vector<2000x256xf32>
    %max3A_35 = arith.maximumf %add3A_33, %max3A_34 : vector<2000x256xf32>
    %slice3A = vector.extract_strided_slice %max3A_35 {offsets = [0, 0], sizes = [2000, 128], strides = [1, 1]} : vector<2000x256xf32> to vector<2000x128xf32>
    %swap3A = arith.constant 0 : index
    %swap3A_36 = arith.constant 0 : index
    %swap3A_37 = vector.load %arg8[%swap3A, %swap3A_36] : memref<2000x128xf32, #tpu.memory_space<vmem>>, vector<2000x128xf32>
    tpu.vector_store %arg8[%swap3A, %swap3A_36], %slice3A {strides = array<i32>} : memref<2000x128xf32, #tpu.memory_space<vmem>>, vector<2000x128xf32>,
    %slice3A_38 = vector.extract_strided_slice %max3A_35 {offsets = [0, 128], sizes = [2000, 128], strides = [1, 1]} : vector<2000x256xf32> to vector<2000x128xf32>
    %swap3A_39 = arith.constant 0 : index
    %swap3A_40 = arith.constant 0 : index
    %swap3A_41 = vector.load %arg9[%swap3A_39, %swap3A_40] : memref<2000x128xf32, #tpu.memory_space<vmem>>, vector<2000x128xf32>
    tpu.vector_store %arg9[%swap3A_39, %swap3A_40], %slice3A_38 {strides = array<i32>} : memref<2000x128xf32, #tpu.memory_space<vmem>>, vector<2000x128xf32>,
    return
  }
  func.func @transform_0(%arg0: i32) -> (i32, i32) {
    %c0_i32 = arith.constant 0 : i32
    %c0_i32_0 = arith.constant 0 : i32
    return %arg0, %c0_i32 : i32, i32
  }
  func.func @transform_1(%arg0: i32) -> (i32, i32) {
    %c0_i32 = arith.constant 0 : i32
    %c0_i32_0 = arith.constant 0 : i32
    return %arg0, %c0_i32 : i32, i32
  }
  func.func @transform_2(%arg0: i32) -> (i32, i32, i32) {
    %c0_i32 = arith.constant 0 : i32
    %c0_i32_0 = arith.constant 0 : i32
    %c0_i32_1 = arith.constant 0 : i32
    return %c0_i32, %arg0, %c0_i32_0 : i32, i32, i32
  }
  func.func @transform_3(%arg0: i32) -> (i32, i32, i32) {
    %c1_i32 = arith.constant 1 : i32
    %c0_i32 = arith.constant 0 : i32
    %c0_i32_0 = arith.constant 0 : i32
    return %c1_i32, %arg0, %c0_i32 : i32, i32, i32
  }
  func.func @transform_4(%arg0: i32) -> (i32, i32) {
    %c0_i32 = arith.constant 0 : i32
    %c0_i32_0 = arith.constant 0 : i32
    %c0_i32_1 = arith.constant 0 : i32
    return %c0_i32, %c0_i32_0 : i32, i32
  }
  func.func @transform_5(%arg0: i32) -> (i32, i32) {
    %c0_i32 = arith.constant 0 : i32
    %c0_i32_0 = arith.constant 0 : i32
    %c0_i32_1 = arith.constant 0 : i32
    return %c0_i32, %c0_i32_0 : i32, i32
  }
  func.func @transform_6(%arg0: i32) -> (i32, i32) {
    %c0_i32 = arith.constant 0 : i32
    %c0_i32_0 = arith.constant 0 : i32
    %c0_i32_1 = arith.constant 0 : i32
    return %c0_i32, %c0_i32_0 : i32, i32
  }
  func.func @transform_7(%arg0: i32) -> (i32, i32) {
    %c0_i32 = arith.constant 0 : i32
    %c0_i32_0 = arith.constant 0 : i32
    return %arg0, %c0_i32 : i32, i32
  }
  func.func @transform_8(%arg0: i32) -> (i32, i32) {
    %c0_i32 = arith.constant 0 : i32
    %c0_i32_0 = arith.constant 0 : i32
    return %arg0, %c0_i32 : i32, i32
  }
}

</mosaic_0001>

<sc_bundles>
// kernel: kernel.6.cloned.1.call-start
scs
__scs_entry_jumppad:
0x0: {  	(pc) =	sbr.rel $0x88, $3  }
0x1: {  	(tag) =	ssettag $0x0;
	lr =	simm.s32 $0x1  }
0x2: {  	[smem:$0x3F99] =	sst lr;
	_ =	strace $0xD0000000  }
0x3: {  	_ = 	snop  }
0x4: {  	_ = 	snop  }
0x5: {  	_ = 	snop  }
0x6: {  	_ = 	snop  }
0x7: {  	_ = 	snop  }
__scs_overlays_trampoline_lowered:
0x8: {  	[smem:$0x3FA8] =	sst s0  }
0x9: {  	[smem:$0x3FA9] =	sst s1  }
0xa: {  	[smem:$0x3FAA] =	sst s2  }
0xb: {  	[smem:$0x3FAB] =	sst s3  }
0xc: {  	[smem:$0x3FAC] =	sst s4  }
0xd: {  	[smem:$0x3FAD] =	sst s5  }
0xe: {  	[smem:$0x3FAE] =	sst s6  }
0xf: {  	[smem:$0x3FAF] =	sst s7  }
0x10: {  	[smem:$0x3FB0] =	sst s8  }
0x11: {  	[smem:$0x3FB1] =	sst s9;
	s0 =	simm.s32 @!p0 $0x0  }
0x12: {  	s1 =	sld [smem:$0x3F97];
	s0 =	simm.s32 @p0 $0x1  }
0x13: {  	[smem:$0x3FB2] =	sst s0;
	s0 =	simm.s32 @!p1 $0x0  }
0x14: {  	s2 =	sld [smem:$0x3F96];
	s0 =	simm.s32 @p1 $0x1  }
0x15: {  	[smem:$0x3FB3] =	sst s0;
	s0 =	simm.s32 @!p2 $0x0  }
0x16: {  	s3 =	sld [smem:$0x3FDB];
	s0 =	simm.s32 @p2 $0x1  }
0x17: {  	s4 =	simm.s32 $0x1BF5;
	[smem:$0x3FB5] =	sst s0  }
0x18: {  	s0 =	sld [smem:$0x3F98];
	_ =	swait.ge [sflag:s4], $0x0  }
0x19: {  	s7 =	sld [smem:$0x3F99]  }
0x1a: {  	s8 =	sadd.s32 $0xFFFFE003, lr  }
0x1b: {  	s9 =	sadd.s32 $0xFFFFFEF7, lr;
	s5 =	simm.s32 $0xFFFFFFFF;
	p2 =	slt.u32 s8, $0xFFFFF086  }
0x1c: {  	p1 =	slt.u32 s9, $0xF7A;
	s5 =	simm.s32 @!p2 $0x0  }
0x1d: {  	s5 =	simm.s32 @p1 $0x1;
	p0 =	seq.s32 s7, s2  }
0x1e: {  	s7 =	smul.u32 @!p0 $0xF7A, s2;
	p2 =	seq.s32 @!p0 s5, $0x0  }
0x1f: {  	s9 =	smul.u32 $0xF7A, s1;
	s8 =	simm.s32 @!p0 $0x1BF5;
	p2 =	por !p2, p0  }
0x20: {  	[sflag:s8] =	ssyncset.s32 @!p0 $0xFFFFF086;
	s6 =	sadd.s32 @!p0 s3, s7;
	s7 =	simm.s32 @!p0 $0x108  }
0x21: {  	s3 =	sadd.s32 s3, s9;
	s6 =	sadd.s32 @!p0 $0x88, s6;
	s7 =	simm.s32 @p2 $0x1082  }
0x22: {  	[simem:s7], [sflag:s8] =	dma.local @!p0 [hbm:s6], $0xF7A  }
0x23: {  	s9 =	sor.u32 $0xD0000000, s2;
	s6 =	simm.s32 $0x108;
	_ =	swait.ge @!p0 [sflag:s8], $0x0  }
0x24: {  	s3 =	sadd.s32 $0x88, s3;
	s6 =	simm.s32 @!p1 $0x1082;
	[sflag:s4] =	ssyncset.s32 $0xFFFFF086  }
0x25: {  	[simem:s6], [sflag:s4] =	dma.local [hbm:s3], $0xF7A  }
0x26: {  	[smem:$0x3F99] =	sst s1;
	(tag) =	ssettag s2;
	_ =	strace s9  }
0x27: {  	s1 =	sld [smem:$0x3FA9]  }
0x28: {  	s2 =	sld [smem:$0x3FAA]  }
0x29: {  	s4 =	sld [smem:$0x3FAC]  }
0x2a: {  	p0 =	seq.s32 s5, $0x0;
	s5 =	sld [smem:$0x3FAD]  }
0x2b: {  	s6 =	sld [smem:$0x3FAE]  }
0x2c: {  	s7 =	sld [smem:$0x3FAF]  }
0x2d: {  	s3 =	simm.s32 $0x108;
	s8 =	sld [smem:$0x3FB0]  }
0x2e: {  	s3 =	simm.s32 @!p0 $0x1082;
	s9 =	sld [smem:$0x3FB1]  }
0x2f: {  	lr =	sadd.s32 s0, s3;
	s0 =	sld [smem:$0x3FA8]  }
0x30: {  	s3 =	sld [smem:$0x3FAB]  }
0x31: {  	[smem:$0x3FB4] =	sst s10  }
0x32: {  	s10 =	sld [smem:$0x3FB2];
	_ =	sdelay $0x3  }
0x33: {  	p0 =	seq.s32 s10, $0x1;
	s10 =	sld [smem:$0x3FB4];
	_ =	sdelay $0x3  }
0x34: {  	[smem:$0x3FB4] =	sst s10  }
0x35: {  	s10 =	sld [smem:$0x3FB3];
	_ =	sdelay $0x3  }
0x36: {  	p1 =	seq.s32 s10, $0x1;
	s10 =	sld [smem:$0x3FB4];
	_ =	sdelay $0x3  }
0x37: {  	[smem:$0x3FB4] =	sst s10  }
0x38: {  	s10 =	sld [smem:$0x3FB5]  }
0x39: {  	_ = 	snop;
	(pc) =	sbr.ind lr, $3  }
0x3a: {  	_ = 	snop  }
0x3b: {  	_ = 	snop  }
0x3c: {  	p2 =	seq.s32 s10, $0x1;
	s10 =	sld [smem:$0x3FB4]  }
0x3d: {  	_ =	shalt  }
0x3e: {  	_ =	shalt  }
0x3f: {  	_ =	shalt  }
0x40: {  	_ =	shalt  }
0x41: {  	_ =	shalt  }
0x42: {  	_ =	shalt  }
0x43: {  	_ =	shalt  }
0x44: {  	_ =	shalt  }
0x45: {  	_ =	shalt  }
0x46: {  	_ =	shalt  }
0x47: {  	_ =	shalt  }
0x48: {  	_ =	shalt  }
0x49: {  	_ =	shalt  }
0x4a: {  	_ =	shalt  }
0x4b: {  	_ =	shalt  }
0x4c: {  	_ =	shalt  }
0x4d: {  	_ =	shalt  }
0x4e: {  	_ =	shalt  }
0x4f: {  	_ =	shalt  }
0x50: {  	_ =	shalt  }
0x51: {  	_ =	shalt  }
0x52: {  	_ =	shalt  }
0x53: {  	_ =	shalt  }
0x54: {  	_ =	shalt  }
0x55: {  	_ =	shalt  }
0x56: {  	_ =	shalt  }
0x57: {  	_ =	shalt  }
0x58: {  	_ =	shalt  }
0x59: {  	_ =	shalt  }
0x5a: {  	_ =	shalt  }
0x5b: {  	_ =	shalt  }
0x5c: {  	_ =	shalt  }
0x5d: {  	_ =	shalt  }
0x5e: {  	_ =	shalt  }
0x5f: {  	_ =	shalt  }
0x60: {  	_ =	shalt  }
0x61: {  	_ =	shalt  }
0x62: {  	_ =	shalt  }
0x63: {  	_ =	shalt  }
0x64: {  	_ =	shalt  }
0x65: {  	_ =	shalt  }
0x66: {  	_ =	shalt  }
0x67: {  	_ =	shalt  }
0x68: {  	_ =	shalt  }
0x69: {  	_ =	shalt  }
0x6a: {  	_ =	shalt  }
0x6b: {  	_ =	shalt  }
0x6c: {  	_ =	shalt  }
0x6d: {  	_ =	shalt  }
0x6e: {  	_ =	shalt  }
0x6f: {  	_ =	shalt  }
0x70: {  	_ =	shalt  }
0x71: {  	_ =	shalt  }
0x72: {  	_ =	shalt  }
0x73: {  	_ =	shalt  }
0x74: {  	_ =	shalt  }
0x75: {  	_ =	shalt  }
0x76: {  	_ =	shalt  }
0x77: {  	_ =	shalt  }
0x78: {  	_ =	shalt  }
0x79: {  	_ =	shalt  }
0x7a: {  	_ =	shalt  }
0x7b: {  	_ =	shalt  }
0x7c: {  	_ =	shalt  }
0x7d: {  	_ =	shalt  }
0x7e: {  	_ =	shalt  }
0x7f: {  	_ =	shalt  }
0x80: {  	_ =	shalt  }
0x81: {  	_ =	shalt  }
0x82: {  	_ =	shalt  }
0x83: {  	_ =	shalt  }
0x84: {  	_ =	shalt  }
0x85: {  	_ =	shalt  }
0x86: {  	_ =	shalt  }
0x87: {  	_ =	shalt  }
.Lfunc_end0:
.L_simem_size_0:
called_computation_lowered:
.L_overlay_start_0:
0x88: {  	s2 =	sld [smem:$0x3FD9]  }
0x89: {  	s3 =	sld [smem:$0x3FFE];
	_ =	sdelay $0x1  }
0x8a: {  	s1 =	srdreg.scid  }
0x8b: {  	s0 =	sand.u32 $0x1, s1  }
0x8c: {  	s17 =	sshll.u32 s0, $0xA;
	s2 =	sadd.s32 s3, s2  }
0x8d: {  	s2 =	sadd.s32 s2, s17  }
0x8e: {  	[smem:$0x3FC0] =	sst s2  }
0x8f: {  	_ = 	snop  }
0x90: {  	s2 =	sld [smem:$0x3FD0];
	(tm) =	ssettm $0x1  }
0x91: {  	s18 =	sld [smem:$0x3FFB];
	_ =	sdelay $0x3  }
0x92: {  	_ =	strace s18  }
0x93: {  	s3 =	sld [smem:$0x3FFC];
	_ =	sdelay $0x3  }
0x94: {  	_ =	strace s3  }
0x95: {  	s3 =	sld [smem:$0x3FFD];
	_ =	sdelay $0x3  }
0x96: {  	_ =	strace s3  }
0x97: {  	_ =	strace $0x8FFFFFFF  }
0x98: {  	s19 =	sld [smem:$0x3FDB];
	_ =	sdelay $0x1  }
0x99: {  	s4 =	simm.s32 $_scs_section_size  }
0x9a: {  	s5 =	simm.s32 $_size__tile_overlayer_lowered;
	s6 =	simm.s32 $_tile_overlayer_lowered  }
0x9b: {  	s22 =	simm.s32 $0x1BFF;
	s21 =	sshll.u32 s6, $0x1;
	s3 =	sadd.s32 s4, s19  }
0x9c: {  	s7 =	simm.s32 $0x0;
	s20 =	sshll.u32 s5, $0x1;
	s5 =	sadd.s32 s21, s3  }
0x9d: {  	[timem:s7], [sflag:s22] =	dma.local [hbm:s5], s20  }
0x9e: {  	_ =	swait.ge [sflag:s22], s20  }
0x9f: {  	s4 =	ssub.s32 $0x0, s20;
	[sflag:s22] =	ssyncset.done $0x0  }
0xa0: {  	[sflag:s22] =	ssyncadd.s32 s4;
	_ =	sdelay $0x1  }
0xa1: {  	s23 =	simm.s32 $0x1B8B  }
0xa2: {  	_ =	swait.ge [sflag:s23], $0x1  }
0xa3: {  	[sflag:s23] =	ssyncset.done $0x0  }
0xa4: {  	s25 =	simm.s32 $0x1B8E;
	s24 =	sld [smem:$0x3FFE];
	[sflag:s23] =	ssyncadd.s32 $0xFFFFFFFF  }
0xa5: {  	s26 =	simm.s32 $execute0_lowered;
	[smem:$0x3FD2] =	sst s25  }
0xa6: {  	s5 =	sshll.u32 s26, $0x1;
	_ =	strace $0x80000046;
	[dreg:$0x1] =	wrdreg $0xFFFFFFFF  }
0xa7: {  	s28 =	simm.s32 $_size_execute0_lowered;
	s3 =	sadd.s32 s3, s5;
	[dreg:$0x0] =	wrdreg $0x0  }
0xa8: {  	s5 =	sshll.u32 s28, $0x1;
	[dreg:$0x2] =	wrdreg s3  }
0xa9: {  	[dreg:$0x3] =	wrdreg s5  }
0xaa: {  	[dreg:$0x4] =	wrdreg $0xC0  }
0xab: {  	_ =	task [dreg:s7], $0x5FFFF  }
0xac: {  	[dreg:$0x1] =	wrdreg $0xFFFFFFFF  }
0xad: {  	[dreg:$0x0] =	wrdreg $0x60  }
0xae: {  	[dreg:$0x2] =	wrdreg s2  }
0xaf: {  	[dreg:$0x3] =	wrdreg s24  }
0xb0: {  	[dreg:$0x4] =	wrdreg $0xA8000  }
0xb1: {  	[dreg:$0x5] =	wrdreg $0x9  }
0xb2: {  	_ =	task.clear_ibuf [dreg:s7], $0x6FFFF;
	_ =	strace $0x90000046  }
0xb3: {  	s29 =	simm.s32 $0x9;
	_ =	strace $0x80000048  }
0xb4: {  	_ =	swait.ge [sflag:s29], $0x1  }
0xb5: {  	[sflag:s29] =	ssyncadd.s32 $0xFFFFFFFF  }
0xb6: {  	_ =	strace $0x90000048  }
0xb7: {  	_ =	sfence  }
0xb8: {  	s30 =	sld [smem:$0x0];
	_ =	sdelay $0x2  }
0xb9: {  	s31 =	sshll.u32 s1, $0xD;
	s1 =	sshrl.u32 s1, $0x2  }
0xba: {  	s3 =	sand.u32 $0x4000, s31;
	s1 =	sadd.s32 s1, s30  }
0xbb: {  	s0 =	sor.u32 s3, s0;
	s1 =	sshll.u32 s1, $0x11  }
0xbc: {  	s0 =	sor.u32 s1, s0  }
0xbd: {  	s0 =	sadd.s32 $0x8F2B, s0  }
0xbe: {  	[sflag:s0] =	ssyncadd.remote.s32 $0x1  }
0xbf: {  	_ =	sfence.sel $0xFFFF  }
0xc0: {  	[dreg:$0x0] =	wrdreg $0xFFFFFFFF;
	(pc) =	sbr.abs _section_cstart, $3  }
0xc1: {  	[dreg:$0x1] =	wrdreg $0xFFFFFFFF  }
0xc2: {  	_ =	task.clear_ibuf [dreg:s7], $0x2FFFF;
	_ =	strace $0x9FFFFFFF  }
0xc3: {  	(tm) =	ssettm $0x7FFFFFFF  }
tec
execute0_lowered:
.L_overlay_start_1:
0x0: {  	(tag) =	ssettag $0x1  }
0x1: {  	s10 =	rddreg [dreg:$0x0]  }
0x2: {  	s5 =	rddreg [dreg:$0x1]  }
0x3: {  	s6 =	rddreg [dreg:$0x2];
	s1 =	srdreg.scid  }
0x4: {  	s0 =	rddreg [dreg:$0x3];
	s2 =	simm.s32 $0x0;
	s15 =	simm.s32 $0x80  }
0x5: {  	s16 =	simm.s32 $0x2800;
	s17 =	simm.s32 $0x6800;
	s18 =	simm.s32 $0x1  }
0x6: {  	s19 =	simm.s32 $0x2;
	s20 =	simm.s32 $0x0;
	s7 =	sand.u32 $0x1, s1  }
0x7: {  	s1 =	stileid.u32;
	[smem:$0x7FF] =	sst s2;
	s3 =	sadd.s32 $0x2A00, s5  }
0x8: {  	s11 =	sadd.s32 $0x29C00, s5;
	s12 =	sadd.s32 $0x2EC00, s5;
	s4 =	smul.u32 $0x13C000, s7  }
0x9: {  	s8 =	smul.u32 $0x13C00, s1;
	_ =	strace $0x80000047;
	s9 =	ssub.s32 $0x2, s7  }
0xa: {  	s13 =	smul.u32 $0x4F000, s1;
	s30 =	sshll.u32 s1, $0x6;
	p0 =	seq.s32 s7, $0x0  }
0xb: {  	s31 =	smul.u32 $0x500, s1;
	s28 =	sshrl.u32 s9, $0x1;
	s3 =	smov.u32 @p0 s10  }
0xc: {  	s4 =	sadd.s32 s8, s4;
	s9 =	ssub.s32 s9, s28;
	s29 =	sshrl.u32 s13, $0x2  }
0xd: {  	s13 =	sadd.s32 $0x280, s31;
	s8 =	sshrl.u32 s4, $0x3;
	s4 =	sadd.s32 $0x33C00, s5  }
0xe: {  	s14 =	sadd.s32 s29, s6;
	s7 =	smax.u32 s9, $0x1;
	s9 =	sadd.s32 s12, s31  }
0xf: {  	s10 =	sadd.s32 s11, s13;
	s8 =	sadd.s32 s8, s5;
	s5 =	sor.u32 $0x1C03, s30  }
0x10: {  	s6 =	sadd.s32 $0x36400, s8;
	s8 =	sadd.s32 s11, s31;
	s11 =	sadd.s32 s12, s13  }
0x11: {  	s12 =	sshrl.u32 s14, $0x3;
	s13 =	simm.s32 $0x3;
	s14 =	simm.s32 $0x1400  }
.LBB2_1:
0x12: {  	[spmem:s12], [sflag:s5] =	dma.local [hbm:s4], $0x2780  }
0x13: {  	_ =	swait.ge [sflag:s13], $0x2780  }
0x14: {  	[sflag:s13] =	ssyncset.done $0x0  }
0x15: {  	[sflag:s13] =	ssyncadd.s32 $0xFFFFD880  }
0x16: {  	[bflag:$0x0] =	sbarrier.arrive $0xFFFF  }
0x17: {  	[tilespmem:s2], [sflag:$0x3] =	stream.linear.gather [hbm4b:s8+s2], $0x1400, $0x38;
	[tilespmem:$0x1E400] =	vst v63  }
0x18: {  	_ =	swait.ge [sflag:s13], $0x1400  }
0x19: {  	[sflag:s13] =	ssyncset.done $0x0  }
0x1a: {  	[sflag:s13] =	ssyncadd.s32 $0xFFFFEC00  }
0x1b: {  	[tilespmem:s14], [sflag:$0x3] =	stream.linear.gather [hbm4b:s9+s2], $0x1400, $0x38;
	[tilespmem:$0x1E400] =	vst v63  }
0x1c: {  	_ =	swait.ge [sflag:s13], $0x1400  }
0x1d: {  	[sflag:s13] =	ssyncset.done $0x0  }
0x1e: {  	[sflag:s13] =	ssyncadd.s32 $0xFFFFEC00  }
0x1f: {  	[tilespmem:s16], [sflag:$0x1] =	stream.indirect.gather [hbm4b:s3+s15], $0x80, s2, s15, $0xb8;
	[tilespmem:$0x1E400] =	vst v63  }
0x20: {  	_ = 	snop  }
0x21: {  	[tilespmem:s17], [sflag:$0x2] =	stream.indirect.gather [hbm4b:s3+s15], $0x80, s15, s15, $0xb8;
	[tilespmem:$0x1E400] =	vst v63  }
0x22: {  	_ =	swait.ge [sflag:s18], $0x4000  }
0x23: {  	[sflag:s18] =	ssyncset.done $0x0  }
0x24: {  	[sflag:s18] =	ssyncadd.s32 $0xFFFFC000  }
0x25: {  	_ =	swait.ge [sflag:s19], $0x4000  }
0x26: {  	[sflag:s19] =	ssyncset.done $0x0  }
0x27: {  	s21 =	simm.s32 $0x100;
	[sflag:s19] =	ssyncadd.s32 $0xFFFFC000  }
0x28: {  	[tilespmem:s16], [sflag:$0x1] =	stream.indirect.gather [hbm4b:s3+s15], $0x80, s21, s15, $0xb8;
	[tilespmem:$0x1E400] =	vst v63  }
0x29: {  	s22 =	simm.s32 $0x180;
	s21 =	simm.s32 $0xFFFFB800  }
.LBB2_2:
0x2a: {  	[tilespmem:s17], [sflag:$0x2] =	stream.indirect.gather [hbm4b:s3+s15], $0x80, s22, s15, $0xb8;
	[tilespmem:$0x1E400] =	vst v63  }
0x2b: {  	s22 =	smov.u32 s21  }
0x2c: {  	p0 =	sne.s32 s21, $0xFFFFFC00;
	s21 =	sadd.s32 $0x400, s21;
	_ =	swait.ge [sflag:s18], $0x4000  }
0x2d: {  	[sflag:s18] =	ssyncset.done $0x0  }
0x2e: {  	[sflag:s18] =	ssyncadd.s32 $0xFFFFC000  }
.Ltmp0:
0x2f: {  	_ =	swait.ge [sflag:s19], $0x4000;
	(pc) =	sbr.rel @p0 .LBB2_2-.Ltmp0, $4  }
0x30: {  	s22 =	sshra.s32 s22, $0x2;
	[sflag:s19] =	ssyncset.done $0x0  }
0x31: {  	s23 =	sadd.s32 $0x1400, s22;
	[sflag:s19] =	ssyncadd.s32 $0xFFFFC000  }
0x32: {  	[tilespmem:s16], [sflag:$0x1] =	stream.indirect.gather [hbm4b:s3+s15], $0x80, s23, s15, $0xb8;
	[tilespmem:$0x1E400] =	vst v63  }
0x33: {  	s22 =	sadd.s32 $0x1480, s22  }
0x34: {  	[tilespmem:s17], [sflag:$0x2] =	stream.indirect.gather [hbm4b:s3+s15], $0x80, s22, s15, $0xb8;
	[tilespmem:$0x1E400] =	vst v63  }
0x35: {  	_ =	swait.ge [sflag:s18], $0x4000  }
0x36: {  	[sflag:s18] =	ssyncset.done $0x0  }
0x37: {  	[sflag:s18] =	ssyncadd.s32 $0xFFFFC000  }
0x38: {  	_ =	swait.ge [sflag:s19], $0x4000  }
0x39: {  	[sflag:s19] =	ssyncset.done $0x0  }
0x3a: {  	[sflag:s19] =	ssyncadd.s32 $0xFFFFC000  }
0x3b: {  	[tilespmem:s2], [sflag:$0x3] =	stream.linear.gather [hbm4b:s10+s2], $0x1400, $0x38;
	[tilespmem:$0x1E400] =	vst v63  }
0x3c: {  	_ =	swait.ge [sflag:s13], $0x1400  }
0x3d: {  	[sflag:s13] =	ssyncset.done $0x0  }
0x3e: {  	[sflag:s13] =	ssyncadd.s32 $0xFFFFEC00  }
0x3f: {  	[tilespmem:s14], [sflag:$0x3] =	stream.linear.gather [hbm4b:s11+s2], $0x1400, $0x38;
	[tilespmem:$0x1E400] =	vst v63  }
0x40: {  	_ =	swait.ge [sflag:s13], $0x1400  }
0x41: {  	[sflag:s13] =	ssyncset.done $0x0  }
0x42: {  	[sflag:s13] =	ssyncadd.s32 $0xFFFFEC00  }
0x43: {  	[tilespmem:s16], [sflag:$0x1] =	stream.indirect.gather [hbm4b:s3+s15], $0x80, s2, s15, $0xb8;
	[tilespmem:$0x1E400] =	vst v63  }
0x44: {  	_ = 	snop  }
0x45: {  	[tilespmem:s17], [sflag:$0x2] =	stream.indirect.gather [hbm4b:s3+s15], $0x80, s15, s15, $0xb8;
	[tilespmem:$0x1E400] =	vst v63  }
0x46: {  	_ =	swait.ge [sflag:s18], $0x4000  }
0x47: {  	[sflag:s18] =	ssyncset.done $0x0  }
0x48: {  	[sflag:s18] =	ssyncadd.s32 $0xFFFFC000  }
0x49: {  	_ =	swait.ge [sflag:s19], $0x4000  }
0x4a: {  	[sflag:s19] =	ssyncset.done $0x0  }
0x4b: {  	s21 =	simm.s32 $0x100;
	[sflag:s19] =	ssyncadd.s32 $0xFFFFC000  }
0x4c: {  	[tilespmem:s16], [sflag:$0x1] =	stream.indirect.gather [hbm4b:s3+s15], $0x80, s21, s15, $0xb8;
	[tilespmem:$0x1E400] =	vst v63  }
0x4d: {  	s22 =	simm.s32 $0x180;
	s21 =	simm.s32 $0xFFFFB800  }
.LBB2_4:
0x4e: {  	[tilespmem:s17], [sflag:$0x2] =	stream.indirect.gather [hbm4b:s3+s15], $0x80, s22, s15, $0xb8;
	[tilespmem:$0x1E400] =	vst v63  }
0x4f: {  	s22 =	smov.u32 s21  }
0x50: {  	p0 =	sne.s32 s21, $0xFFFFFC00;
	s21 =	sadd.s32 $0x400, s21;
	_ =	swait.ge [sflag:s18], $0x4000  }
0x51: {  	[sflag:s18] =	ssyncset.done $0x0  }
0x52: {  	[sflag:s18] =	ssyncadd.s32 $0xFFFFC000  }
.Ltmp1:
0x53: {  	_ =	swait.ge [sflag:s19], $0x4000;
	(pc) =	sbr.rel @p0 .LBB2_4-.Ltmp1, $4  }
0x54: {  	s22 =	sshra.s32 s22, $0x2;
	[sflag:s19] =	ssyncset.done $0x0  }
0x55: {  	s23 =	sadd.s32 $0x1400, s22;
	[sflag:s19] =	ssyncadd.s32 $0xFFFFC000  }
0x56: {  	[tilespmem:s16], [sflag:$0x1] =	stream.indirect.gather [hbm4b:s3+s15], $0x80, s23, s15, $0xb8;
	[tilespmem:$0x1E400] =	vst v63  }
0x57: {  	s22 =	sadd.s32 $0x1480, s22  }
0x58: {  	[tilespmem:s17], [sflag:$0x2] =	stream.indirect.gather [hbm4b:s3+s15], $0x80, s22, s15, $0xb8;
	[tilespmem:$0x1E400] =	vst v63  }
0x59: {  	_ =	swait.ge [sflag:s18], $0x4000  }
0x5a: {  	[sflag:s18] =	ssyncset.done $0x0  }
0x5b: {  	[sflag:s18] =	ssyncadd.s32 $0xFFFFC000  }
0x5c: {  	_ =	swait.ge [sflag:s19], $0x4000  }
0x5d: {  	s20 =	sadd.s32 $0x1, s20;
	[sflag:s19] =	ssyncset.done $0x0  }
0x5e: {  	p0 =	sne.s32 s20, s7;
	[sflag:s19] =	ssyncadd.s32 $0xFFFFC000  }
.Ltmp2:
0x5f: {  	[bflag:$0x0] =	sbarrier.arrive $0xFFFF;
	(pc) =	sbr.rel @p0 .LBB2_1-.Ltmp2, $4  }
0x60: {  	[hbm:s6], [sflag:s5] =	dma.local [spmem:s12], $0x2780  }
0x61: {  	_ =	swait.ge [sflag:s13], $0x2780  }
0x62: {  	[sflag:s13] =	ssyncset.done $0x0  }
0x63: {  	[sflag:s13] =	ssyncadd.s32 $0xFFFFD880  }
0x64: {  	_ =	sfence.sel $0x180000  }
0x65: {  	[bflag:$0x0] =	sbarrier.arrive $0xFFFF  }
0x66: {  	p0 =	sne.s32 s1, $0x0;
	_ =	strace $0x90000047  }
0x67: {  	s0 =	sadd.s32 @!p0 $0x100000, s0;
	[bflag:$0x2] =	sbarrier.arrive $0xFFFF  }
0x68: {  	[sflag:s0] =	ssyncadd.tile.s32 @!p0 $0x1;
	_ =	shalt  }
.Lfunc_end2:
_tile_overlayer_lowered:
.L_overlay_start_2:
0x69: {  	(tag) =	ssettag $0x2  }
0x6a: {  	s0 =	rddreg [dreg:$0x0];
	s2 =	stileid.u32  }
0x6b: {  	s1 =	rddreg [dreg:$0x1];
	p0 =	sne.s32 s2, $0x0  }
0x6c: {  	s3 =	rddreg [dreg:$0x2];
	[bflag:$0x3] =	sbarrier.arrive $0xFFFF;
	s2 =	simm.s32 @!p0 $0x1C03  }
0x6d: {  	[timem:s3], [sflag:s2] =	dma.local @!p0 [hbm:s0], s1  }
0x6e: {  	s0 =	simm.s32 @!p0 $0x3  }
0x6f: {  	_ =	swait.ge @!p0 [sflag:s0], s1  }
0x70: {  	s1 =	ssub.s32 @!p0 $0x0, s1;
	[sflag:s0] =	ssyncset.done @!p0 $0x0  }
0x71: {  	[sflag:s0] =	ssyncadd.s32 @!p0 s1  }
0x72: {  	[bflag:$0x3] =	sbarrier.arrive $0xFFFF  }
0x73: {  	_ =	shalt  }

// kernel: kernel.9.cloned.1.call-start
scs
__scs_entry_jumppad:
0x0: {  	(pc) =	sbr.rel $0x88, $3  }
0x1: {  	(tag) =	ssettag $0x0;
	lr =	simm.s32 $0x1  }
0x2: {  	[smem:$0x3F99] =	sst lr;
	_ =	strace $0xD0000000  }
0x3: {  	_ = 	snop  }
0x4: {  	_ = 	snop  }
0x5: {  	_ = 	snop  }
0x6: {  	_ = 	snop  }
0x7: {  	_ = 	snop  }
__scs_overlays_trampoline_lowered:
0x8: {  	[smem:$0x3FA8] =	sst s0  }
0x9: {  	[smem:$0x3FA9] =	sst s1  }
0xa: {  	[smem:$0x3FAA] =	sst s2  }
0xb: {  	[smem:$0x3FAB] =	sst s3  }
0xc: {  	[smem:$0x3FAC] =	sst s4  }
0xd: {  	[smem:$0x3FAD] =	sst s5  }
0xe: {  	[smem:$0x3FAE] =	sst s6  }
0xf: {  	[smem:$0x3FAF] =	sst s7  }
0x10: {  	[smem:$0x3FB0] =	sst s8  }
0x11: {  	[smem:$0x3FB1] =	sst s9;
	s0 =	simm.s32 @!p0 $0x0  }
0x12: {  	s1 =	sld [smem:$0x3F97];
	s0 =	simm.s32 @p0 $0x1  }
0x13: {  	[smem:$0x3FB2] =	sst s0;
	s0 =	simm.s32 @!p1 $0x0  }
0x14: {  	s2 =	sld [smem:$0x3F96];
	s0 =	simm.s32 @p1 $0x1  }
0x15: {  	[smem:$0x3FB3] =	sst s0;
	s0 =	simm.s32 @!p2 $0x0  }
0x16: {  	s3 =	sld [smem:$0x3FDB];
	s0 =	simm.s32 @p2 $0x1  }
0x17: {  	s4 =	simm.s32 $0x1BF5;
	[smem:$0x3FB5] =	sst s0  }
0x18: {  	s0 =	sld [smem:$0x3F98];
	_ =	swait.ge [sflag:s4], $0x0  }
0x19: {  	s7 =	sld [smem:$0x3F99]  }
0x1a: {  	s8 =	sadd.s32 $0xFFFFE003, lr  }
0x1b: {  	s9 =	sadd.s32 $0xFFFFFEF7, lr;
	s5 =	simm.s32 $0xFFFFFFFF;
	p2 =	slt.u32 s8, $0xFFFFF086  }
0x1c: {  	p1 =	slt.u32 s9, $0xF7A;
	s5 =	simm.s32 @!p2 $0x0  }
0x1d: {  	s5 =	simm.s32 @p1 $0x1;
	p0 =	seq.s32 s7, s2  }
0x1e: {  	s7 =	smul.u32 @!p0 $0xF7A, s2;
	p2 =	seq.s32 @!p0 s5, $0x0  }
0x1f: {  	s9 =	smul.u32 $0xF7A, s1;
	s8 =	simm.s32 @!p0 $0x1BF5;
	p2 =	por !p2, p0  }
0x20: {  	[sflag:s8] =	ssyncset.s32 @!p0 $0xFFFFF086;
	s6 =	sadd.s32 @!p0 s3, s7;
	s7 =	simm.s32 @!p0 $0x108  }
0x21: {  	s3 =	sadd.s32 s3, s9;
	s6 =	sadd.s32 @!p0 $0x88, s6;
	s7 =	simm.s32 @p2 $0x1082  }
0x22: {  	[simem:s7], [sflag:s8] =	dma.local @!p0 [hbm:s6], $0xF7A  }
0x23: {  	s9 =	sor.u32 $0xD0000000, s2;
	s6 =	simm.s32 $0x108;
	_ =	swait.ge @!p0 [sflag:s8], $0x0  }
0x24: {  	s3 =	sadd.s32 $0x88, s3;
	s6 =	simm.s32 @!p1 $0x1082;
	[sflag:s4] =	ssyncset.s32 $0xFFFFF086  }
0x25: {  	[simem:s6], [sflag:s4] =	dma.local [hbm:s3], $0xF7A  }
0x26: {  	[smem:$0x3F99] =	sst s1;
	(tag) =	ssettag s2;
	_ =	strace s9  }
0x27: {  	s1 =	sld [smem:$0x3FA9]  }
0x28: {  	s2 =	sld [smem:$0x3FAA]  }
0x29: {  	s4 =	sld [smem:$0x3FAC]  }
0x2a: {  	p0 =	seq.s32 s5, $0x0;
	s5 =	sld [smem:$0x3FAD]  }
0x2b: {  	s6 =	sld [smem:$0x3FAE]  }
0x2c: {  	s7 =	sld [smem:$0x3FAF]  }
0x2d: {  	s3 =	simm.s32 $0x108;
	s8 =	sld [smem:$0x3FB0]  }
0x2e: {  	s3 =	simm.s32 @!p0 $0x1082;
	s9 =	sld [smem:$0x3FB1]  }
0x2f: {  	lr =	sadd.s32 s0, s3;
	s0 =	sld [smem:$0x3FA8]  }
0x30: {  	s3 =	sld [smem:$0x3FAB]  }
0x31: {  	[smem:$0x3FB4] =	sst s10  }
0x32: {  	s10 =	sld [smem:$0x3FB2];
	_ =	sdelay $0x3  }
0x33: {  	p0 =	seq.s32 s10, $0x1;
	s10 =	sld [smem:$0x3FB4];
	_ =	sdelay $0x3  }
0x34: {  	[smem:$0x3FB4] =	sst s10  }
0x35: {  	s10 =	sld [smem:$0x3FB3];
	_ =	sdelay $0x3  }
0x36: {  	p1 =	seq.s32 s10, $0x1;
	s10 =	sld [smem:$0x3FB4];
	_ =	sdelay $0x3  }
0x37: {  	[smem:$0x3FB4] =	sst s10  }
0x38: {  	s10 =	sld [smem:$0x3FB5]  }
0x39: {  	_ = 	snop;
	(pc) =	sbr.ind lr, $3  }
0x3a: {  	_ = 	snop  }
0x3b: {  	_ = 	snop  }
0x3c: {  	p2 =	seq.s32 s10, $0x1;
	s10 =	sld [smem:$0x3FB4]  }
0x3d: {  	_ =	shalt  }
0x3e: {  	_ =	shalt  }
0x3f: {  	_ =	shalt  }
0x40: {  	_ =	shalt  }
0x41: {  	_ =	shalt  }
0x42: {  	_ =	shalt  }
0x43: {  	_ =	shalt  }
0x44: {  	_ =	shalt  }
0x45: {  	_ =	shalt  }
0x46: {  	_ =	shalt  }
0x47: {  	_ =	shalt  }
0x48: {  	_ =	shalt  }
0x49: {  	_ =	shalt  }
0x4a: {  	_ =	shalt  }
0x4b: {  	_ =	shalt  }
0x4c: {  	_ =	shalt  }
0x4d: {  	_ =	shalt  }
0x4e: {  	_ =	shalt  }
0x4f: {  	_ =	shalt  }
0x50: {  	_ =	shalt  }
0x51: {  	_ =	shalt  }
0x52: {  	_ =	shalt  }
0x53: {  	_ =	shalt  }
0x54: {  	_ =	shalt  }
0x55: {  	_ =	shalt  }
0x56: {  	_ =	shalt  }
0x57: {  	_ =	shalt  }
0x58: {  	_ =	shalt  }
0x59: {  	_ =	shalt  }
0x5a: {  	_ =	shalt  }
0x5b: {  	_ =	shalt  }
0x5c: {  	_ =	shalt  }
0x5d: {  	_ =	shalt  }
0x5e: {  	_ =	shalt  }
0x5f: {  	_ =	shalt  }
0x60: {  	_ =	shalt  }
0x61: {  	_ =	shalt  }
0x62: {  	_ =	shalt  }
0x63: {  	_ =	shalt  }
0x64: {  	_ =	shalt  }
0x65: {  	_ =	shalt  }
0x66: {  	_ =	shalt  }
0x67: {  	_ =	shalt  }
0x68: {  	_ =	shalt  }
0x69: {  	_ =	shalt  }
0x6a: {  	_ =	shalt  }
0x6b: {  	_ =	shalt  }
0x6c: {  	_ =	shalt  }
0x6d: {  	_ =	shalt  }
0x6e: {  	_ =	shalt  }
0x6f: {  	_ =	shalt  }
0x70: {  	_ =	shalt  }
0x71: {  	_ =	shalt  }
0x72: {  	_ =	shalt  }
0x73: {  	_ =	shalt  }
0x74: {  	_ =	shalt  }
0x75: {  	_ =	shalt  }
0x76: {  	_ =	shalt  }
0x77: {  	_ =	shalt  }
0x78: {  	_ =	shalt  }
0x79: {  	_ =	shalt  }
0x7a: {  	_ =	shalt  }
0x7b: {  	_ =	shalt  }
0x7c: {  	_ =	shalt  }
0x7d: {  	_ =	shalt  }
0x7e: {  	_ =	shalt  }
0x7f: {  	_ =	shalt  }
0x80: {  	_ =	shalt  }
0x81: {  	_ =	shalt  }
0x82: {  	_ =	shalt  }
0x83: {  	_ =	shalt  }
0x84: {  	_ =	shalt  }
0x85: {  	_ =	shalt  }
0x86: {  	_ =	shalt  }
0x87: {  	_ =	shalt  }
.Lfunc_end0:
.L_simem_size_0:
called_computation.1_lowered:
.L_overlay_start_0:
0x88: {  	s2 =	sld [smem:$0x3FD9]  }
0x89: {  	s3 =	sld [smem:$0x3FFE];
	_ =	sdelay $0x1  }
0x8a: {  	s1 =	srdreg.scid  }
0x8b: {  	s0 =	sand.u32 $0x1, s1  }
0x8c: {  	s17 =	sshll.u32 s0, $0xA;
	s2 =	sadd.s32 s3, s2  }
0x8d: {  	s2 =	sadd.s32 s2, s17  }
0x8e: {  	[smem:$0x3FC0] =	sst s2  }
0x8f: {  	_ = 	snop  }
0x90: {  	s2 =	sld [smem:$0x3FD0];
	(tm) =	ssettm $0x1  }
0x91: {  	s18 =	sld [smem:$0x3FFB];
	_ =	sdelay $0x3  }
0x92: {  	_ =	strace s18  }
0x93: {  	s3 =	sld [smem:$0x3FFC];
	_ =	sdelay $0x3  }
0x94: {  	_ =	strace s3  }
0x95: {  	s3 =	sld [smem:$0x3FFD];
	_ =	sdelay $0x3  }
0x96: {  	_ =	strace s3  }
0x97: {  	_ =	strace $0x8FFFFFFF  }
0x98: {  	s19 =	sld [smem:$0x3FDB];
	_ =	sdelay $0x1  }
0x99: {  	s4 =	simm.s32 $_scs_section_size  }
0x9a: {  	s5 =	simm.s32 $_size__tile_overlayer_lowered;
	s6 =	simm.s32 $_tile_overlayer_lowered  }
0x9b: {  	s22 =	simm.s32 $0x1BFF;
	s21 =	sshll.u32 s6, $0x1;
	s3 =	sadd.s32 s4, s19  }
0x9c: {  	s7 =	simm.s32 $0x0;
	s20 =	sshll.u32 s5, $0x1;
	s5 =	sadd.s32 s21, s3  }
0x9d: {  	[timem:s7], [sflag:s22] =	dma.local [hbm:s5], s20  }
0x9e: {  	_ =	swait.ge [sflag:s22], s20  }
0x9f: {  	s4 =	ssub.s32 $0x0, s20;
	[sflag:s22] =	ssyncset.done $0x0  }
0xa0: {  	[sflag:s22] =	ssyncadd.s32 s4;
	_ =	sdelay $0x1  }
0xa1: {  	s23 =	simm.s32 $0x1B8B  }
0xa2: {  	_ =	swait.ge [sflag:s23], $0x1  }
0xa3: {  	[sflag:s23] =	ssyncset.done $0x0  }
0xa4: {  	s25 =	simm.s32 $0x1B8E;
	s24 =	sld [smem:$0x3FFE];
	[sflag:s23] =	ssyncadd.s32 $0xFFFFFFFF  }
0xa5: {  	s26 =	simm.s32 $execute0_lowered;
	[smem:$0x3FD2] =	sst s25  }
0xa6: {  	s5 =	sshll.u32 s26, $0x1;
	_ =	strace $0x80000049;
	[dreg:$0x1] =	wrdreg $0xFFFFFFFF  }
0xa7: {  	s28 =	simm.s32 $_size_execute0_lowered;
	s3 =	sadd.s32 s3, s5;
	[dreg:$0x0] =	wrdreg $0x0  }
0xa8: {  	s5 =	sshll.u32 s28, $0x1;
	[dreg:$0x2] =	wrdreg s3  }
0xa9: {  	[dreg:$0x3] =	wrdreg s5  }
0xaa: {  	[dreg:$0x4] =	wrdreg $0xC0  }
0xab: {  	_ =	task [dreg:s7], $0x5FFFF  }
0xac: {  	[dreg:$0x1] =	wrdreg $0xFFFFFFFF  }
0xad: {  	[dreg:$0x0] =	wrdreg $0x60  }
0xae: {  	[dreg:$0x2] =	wrdreg s2  }
0xaf: {  	[dreg:$0x3] =	wrdreg s24  }
0xb0: {  	[dreg:$0x4] =	wrdreg $0xA8000  }
0xb1: {  	[dreg:$0x5] =	wrdreg $0x9  }
0xb2: {  	_ =	task.clear_ibuf [dreg:s7], $0x6FFFF;
	_ =	strace $0x90000049  }
0xb3: {  	s29 =	simm.s32 $0x9;
	_ =	strace $0x8000004B  }
0xb4: {  	_ =	swait.ge [sflag:s29], $0x1  }
0xb5: {  	[sflag:s29] =	ssyncadd.s32 $0xFFFFFFFF  }
0xb6: {  	_ =	strace $0x9000004B  }
0xb7: {  	_ =	sfence  }
0xb8: {  	s30 =	sld [smem:$0x0];
	_ =	sdelay $0x2  }
0xb9: {  	s31 =	sshll.u32 s1, $0xD;
	s1 =	sshrl.u32 s1, $0x2  }
0xba: {  	s3 =	sand.u32 $0x4000, s31;
	s1 =	sadd.s32 s1, s30  }
0xbb: {  	s0 =	sor.u32 s3, s0;
	s1 =	sshll.u32 s1, $0x11  }
0xbc: {  	s0 =	sor.u32 s1, s0  }
0xbd: {  	s0 =	sadd.s32 $0x8F2B, s0  }
0xbe: {  	[sflag:s0] =	ssyncadd.remote.s32 $0x1  }
0xbf: {  	_ =	sfence.sel $0xFFFF  }
0xc0: {  	[dreg:$0x0] =	wrdreg $0xFFFFFFFF;
	(pc) =	sbr.abs _section_cstart, $3  }
0xc1: {  	[dreg:$0x1] =	wrdreg $0xFFFFFFFF  }
0xc2: {  	_ =	task.clear_ibuf [dreg:s7], $0x2FFFF;
	_ =	strace $0x9FFFFFFF  }
0xc3: {  	(tm) =	ssettm $0x7FFFFFFF  }
tec
execute0_lowered:
.L_overlay_start_1:
0x0: {  	(tag) =	ssettag $0x1  }
0x1: {  	s10 =	rddreg [dreg:$0x0]  }
0x2: {  	s5 =	rddreg [dreg:$0x1]  }
0x3: {  	s6 =	rddreg [dreg:$0x2];
	s1 =	srdreg.scid  }
0x4: {  	s0 =	rddreg [dreg:$0x3];
	s2 =	simm.s32 $0x0;
	s15 =	simm.s32 $0x80  }
0x5: {  	s16 =	simm.s32 $0x2800;
	s17 =	simm.s32 $0x6800;
	s18 =	simm.s32 $0x1  }
0x6: {  	s19 =	simm.s32 $0x2;
	s20 =	simm.s32 $0x0;
	s7 =	sand.u32 $0x1, s1  }
0x7: {  	s1 =	stileid.u32;
	[smem:$0x7FF] =	sst s2;
	s3 =	sadd.s32 $0x2A00, s5  }
0x8: {  	s11 =	sadd.s32 $0x29C00, s5;
	s12 =	sadd.s32 $0x2EC00, s5;
	s4 =	smul.u32 $0x13C000, s7  }
0x9: {  	s8 =	smul.u32 $0x13C00, s1;
	_ =	strace $0x8000004A;
	s9 =	ssub.s32 $0x2, s7  }
0xa: {  	s13 =	smul.u32 $0x4F000, s1;
	s30 =	sshll.u32 s1, $0x6;
	p0 =	seq.s32 s7, $0x0  }
0xb: {  	s31 =	smul.u32 $0x500, s1;
	s28 =	sshrl.u32 s9, $0x1;
	s3 =	smov.u32 @p0 s10  }
0xc: {  	s4 =	sadd.s32 s8, s4;
	s9 =	ssub.s32 s9, s28;
	s29 =	sshrl.u32 s13, $0x2  }
0xd: {  	s13 =	sadd.s32 $0x280, s31;
	s8 =	sshrl.u32 s4, $0x3;
	s4 =	sadd.s32 $0x33C00, s5  }
0xe: {  	s14 =	sadd.s32 s29, s6;
	s7 =	smax.u32 s9, $0x1;
	s9 =	sadd.s32 s12, s31  }
0xf: {  	s10 =	sadd.s32 s11, s13;
	s8 =	sadd.s32 s8, s5;
	s5 =	sor.u32 $0x1C03, s30  }
0x10: {  	s6 =	sadd.s32 $0x36400, s8;
	s8 =	sadd.s32 s11, s31;
	s11 =	sadd.s32 s12, s13  }
0x11: {  	s12 =	sshrl.u32 s14, $0x3;
	s13 =	simm.s32 $0x3;
	s14 =	simm.s32 $0x1400  }
.LBB2_1:
0x12: {  	[spmem:s12], [sflag:s5] =	dma.local [hbm:s4], $0x2780  }
0x13: {  	_ =	swait.ge [sflag:s13], $0x2780  }
0x14: {  	[sflag:s13] =	ssyncset.done $0x0  }
0x15: {  	[sflag:s13] =	ssyncadd.s32 $0xFFFFD880  }
0x16: {  	[bflag:$0x0] =	sbarrier.arrive $0xFFFF  }
0x17: {  	[tilespmem:s2], [sflag:$0x3] =	stream.linear.gather [hbm4b:s8+s2], $0x1400, $0x38;
	[tilespmem:$0x1E400] =	vst v63  }
0x18: {  	_ =	swait.ge [sflag:s13], $0x1400  }
0x19: {  	[sflag:s13] =	ssyncset.done $0x0  }
0x1a: {  	[sflag:s13] =	ssyncadd.s32 $0xFFFFEC00  }
0x1b: {  	[tilespmem:s14], [sflag:$0x3] =	stream.linear.gather [hbm4b:s9+s2], $0x1400, $0x38;
	[tilespmem:$0x1E400] =	vst v63  }
0x1c: {  	_ =	swait.ge [sflag:s13], $0x1400  }
0x1d: {  	[sflag:s13] =	ssyncset.done $0x0  }
0x1e: {  	[sflag:s13] =	ssyncadd.s32 $0xFFFFEC00  }
0x1f: {  	[tilespmem:s16], [sflag:$0x1] =	stream.indirect.gather [hbm4b:s3+s15], $0x80, s2, s15, $0xb8;
	[tilespmem:$0x1E400] =	vst v63  }
0x20: {  	_ = 	snop  }
0x21: {  	[tilespmem:s17], [sflag:$0x2] =	stream.indirect.gather [hbm4b:s3+s15], $0x80, s15, s15, $0xb8;
	[tilespmem:$0x1E400] =	vst v63  }
0x22: {  	_ =	swait.ge [sflag:s18], $0x4000  }
0x23: {  	[sflag:s18] =	ssyncset.done $0x0  }
0x24: {  	[sflag:s18] =	ssyncadd.s32 $0xFFFFC000  }
0x25: {  	_ =	swait.ge [sflag:s19], $0x4000  }
0x26: {  	[sflag:s19] =	ssyncset.done $0x0  }
0x27: {  	s21 =	simm.s32 $0x100;
	[sflag:s19] =	ssyncadd.s32 $0xFFFFC000  }
0x28: {  	[tilespmem:s16], [sflag:$0x1] =	stream.indirect.gather [hbm4b:s3+s15], $0x80, s21, s15, $0xb8;
	[tilespmem:$0x1E400] =	vst v63  }
0x29: {  	s22 =	simm.s32 $0x180;
	s21 =	simm.s32 $0xFFFFB800  }
.LBB2_2:
0x2a: {  	[tilespmem:s17], [sflag:$0x2] =	stream.indirect.gather [hbm4b:s3+s15], $0x80, s22, s15, $0xb8;
	[tilespmem:$0x1E400] =	vst v63  }
0x2b: {  	s22 =	smov.u32 s21  }
0x2c: {  	p0 =	sne.s32 s21, $0xFFFFFC00;
	s21 =	sadd.s32 $0x400, s21;
	_ =	swait.ge [sflag:s18], $0x4000  }
0x2d: {  	[sflag:s18] =	ssyncset.done $0x0  }
0x2e: {  	[sflag:s18] =	ssyncadd.s32 $0xFFFFC000  }
.Ltmp0:
0x2f: {  	_ =	swait.ge [sflag:s19], $0x4000;
	(pc) =	sbr.rel @p0 .LBB2_2-.Ltmp0, $4  }
0x30: {  	s22 =	sshra.s32 s22, $0x2;
	[sflag:s19] =	ssyncset.done $0x0  }
0x31: {  	s23 =	sadd.s32 $0x1400, s22;
	[sflag:s19] =	ssyncadd.s32 $0xFFFFC000  }
0x32: {  	[tilespmem:s16], [sflag:$0x1] =	stream.indirect.gather [hbm4b:s3+s15], $0x80, s23, s15, $0xb8;
	[tilespmem:$0x1E400] =	vst v63  }
0x33: {  	s22 =	sadd.s32 $0x1480, s22  }
0x34: {  	[tilespmem:s17], [sflag:$0x2] =	stream.indirect.gather [hbm4b:s3+s15], $0x80, s22, s15, $0xb8;
	[tilespmem:$0x1E400] =	vst v63  }
0x35: {  	_ =	swait.ge [sflag:s18], $0x4000  }
0x36: {  	[sflag:s18] =	ssyncset.done $0x0  }
0x37: {  	[sflag:s18] =	ssyncadd.s32 $0xFFFFC000  }
0x38: {  	_ =	swait.ge [sflag:s19], $0x4000  }
0x39: {  	[sflag:s19] =	ssyncset.done $0x0  }
0x3a: {  	[sflag:s19] =	ssyncadd.s32 $0xFFFFC000  }
0x3b: {  	[tilespmem:s2], [sflag:$0x3] =	stream.linear.gather [hbm4b:s10+s2], $0x1400, $0x38;
	[tilespmem:$0x1E400] =	vst v63  }
0x3c: {  	_ =	swait.ge [sflag:s13], $0x1400  }
0x3d: {  	[sflag:s13] =	ssyncset.done $0x0  }
0x3e: {  	[sflag:s13] =	ssyncadd.s32 $0xFFFFEC00  }
0x3f: {  	[tilespmem:s14], [sflag:$0x3] =	stream.linear.gather [hbm4b:s11+s2], $0x1400, $0x38;
	[tilespmem:$0x1E400] =	vst v63  }
0x40: {  	_ =	swait.ge [sflag:s13], $0x1400  }
0x41: {  	[sflag:s13] =	ssyncset.done $0x0  }
0x42: {  	[sflag:s13] =	ssyncadd.s32 $0xFFFFEC00  }
0x43: {  	[tilespmem:s16], [sflag:$0x1] =	stream.indirect.gather [hbm4b:s3+s15], $0x80, s2, s15, $0xb8;
	[tilespmem:$0x1E400] =	vst v63  }
0x44: {  	_ = 	snop  }
0x45: {  	[tilespmem:s17], [sflag:$0x2] =	stream.indirect.gather [hbm4b:s3+s15], $0x80, s15, s15, $0xb8;
	[tilespmem:$0x1E400] =	vst v63  }
0x46: {  	_ =	swait.ge [sflag:s18], $0x4000  }
0x47: {  	[sflag:s18] =	ssyncset.done $0x0  }
0x48: {  	[sflag:s18] =	ssyncadd.s32 $0xFFFFC000  }
0x49: {  	_ =	swait.ge [sflag:s19], $0x4000  }
0x4a: {  	[sflag:s19] =	ssyncset.done $0x0  }
0x4b: {  	s21 =	simm.s32 $0x100;
	[sflag:s19] =	ssyncadd.s32 $0xFFFFC000  }
0x4c: {  	[tilespmem:s16], [sflag:$0x1] =	stream.indirect.gather [hbm4b:s3+s15], $0x80, s21, s15, $0xb8;
	[tilespmem:$0x1E400] =	vst v63  }
0x4d: {  	s22 =	simm.s32 $0x180;
	s21 =	simm.s32 $0xFFFFB800  }
.LBB2_4:
0x4e: {  	[tilespmem:s17], [sflag:$0x2] =	stream.indirect.gather [hbm4b:s3+s15], $0x80, s22, s15, $0xb8;
	[tilespmem:$0x1E400] =	vst v63  }
0x4f: {  	s22 =	smov.u32 s21  }
0x50: {  	p0 =	sne.s32 s21, $0xFFFFFC00;
	s21 =	sadd.s32 $0x400, s21;
	_ =	swait.ge [sflag:s18], $0x4000  }
0x51: {  	[sflag:s18] =	ssyncset.done $0x0  }
0x52: {  	[sflag:s18] =	ssyncadd.s32 $0xFFFFC000  }
.Ltmp1:
0x53: {  	_ =	swait.ge [sflag:s19], $0x4000;
	(pc) =	sbr.rel @p0 .LBB2_4-.Ltmp1, $4  }
0x54: {  	s22 =	sshra.s32 s22, $0x2;
	[sflag:s19] =	ssyncset.done $0x0  }
0x55: {  	s23 =	sadd.s32 $0x1400, s22;
	[sflag:s19] =	ssyncadd.s32 $0xFFFFC000  }
0x56: {  	[tilespmem:s16], [sflag:$0x1] =	stream.indirect.gather [hbm4b:s3+s15], $0x80, s23, s15, $0xb8;
	[tilespmem:$0x1E400] =	vst v63  }
0x57: {  	s22 =	sadd.s32 $0x1480, s22  }
0x58: {  	[tilespmem:s17], [sflag:$0x2] =	stream.indirect.gather [hbm4b:s3+s15], $0x80, s22, s15, $0xb8;
	[tilespmem:$0x1E400] =	vst v63  }
0x59: {  	_ =	swait.ge [sflag:s18], $0x4000  }
0x5a: {  	[sflag:s18] =	ssyncset.done $0x0  }
0x5b: {  	[sflag:s18] =	ssyncadd.s32 $0xFFFFC000  }
0x5c: {  	_ =	swait.ge [sflag:s19], $0x4000  }
0x5d: {  	s20 =	sadd.s32 $0x1, s20;
	[sflag:s19] =	ssyncset.done $0x0  }
0x5e: {  	p0 =	sne.s32 s20, s7;
	[sflag:s19] =	ssyncadd.s32 $0xFFFFC000  }
.Ltmp2:
0x5f: {  	[bflag:$0x0] =	sbarrier.arrive $0xFFFF;
	(pc) =	sbr.rel @p0 .LBB2_1-.Ltmp2, $4  }
0x60: {  	[hbm:s6], [sflag:s5] =	dma.local [spmem:s12], $0x2780  }
0x61: {  	_ =	swait.ge [sflag:s13], $0x2780  }
0x62: {  	[sflag:s13] =	ssyncset.done $0x0  }
0x63: {  	[sflag:s13] =	ssyncadd.s32 $0xFFFFD880  }
0x64: {  	_ =	sfence.sel $0x180000  }
0x65: {  	[bflag:$0x0] =	sbarrier.arrive $0xFFFF  }
0x66: {  	p0 =	sne.s32 s1, $0x0;
	_ =	strace $0x9000004A  }
0x67: {  	s0 =	sadd.s32 @!p0 $0x100000, s0;
	[bflag:$0x2] =	sbarrier.arrive $0xFFFF  }
0x68: {  	[sflag:s0] =	ssyncadd.tile.s32 @!p0 $0x1;
	_ =	shalt  }
.Lfunc_end2:
_tile_overlayer_lowered:
.L_overlay_start_2:
0x69: {  	(tag) =	ssettag $0x2  }
0x6a: {  	s0 =	rddreg [dreg:$0x0];
	s2 =	stileid.u32  }
0x6b: {  	s1 =	rddreg [dreg:$0x1];
	p0 =	sne.s32 s2, $0x0  }
0x6c: {  	s3 =	rddreg [dreg:$0x2];
	[bflag:$0x3] =	sbarrier.arrive $0xFFFF;
	s2 =	simm.s32 @!p0 $0x1C03  }
0x6d: {  	[timem:s3], [sflag:s2] =	dma.local @!p0 [hbm:s0], s1  }
0x6e: {  	s0 =	simm.s32 @!p0 $0x3  }
0x6f: {  	_ =	swait.ge @!p0 [sflag:s0], s1  }
0x70: {  	s1 =	ssub.s32 @!p0 $0x0, s1;
	[sflag:s0] =	ssyncset.done @!p0 $0x0  }
0x71: {  	[sflag:s0] =	ssyncadd.s32 @!p0 s1  }
0x72: {  	[bflag:$0x3] =	sbarrier.arrive $0xFFFF  }
0x73: {  	_ =	shalt  }

</sc_bundles>
